<compile_context>
chip_gen: v7x
topology: tpu7x:2x2x1
jax: 0.10.2.dev20260603
libtpu: 0.0.44.dev20260713+nightly
codegen_flags: <defaults>
</compile_context>

<pallas_src>
import functools

import jax
import jax.numpy as jnp
from jax import lax
from jax.experimental import pallas as pl
from jax.experimental.pallas import tpu as pltpu
from jax.experimental.pallas import tpu_sc as plsc

_MAX_ROWS = 8192
_OUT_ROWS = 4096
_D = 2048
_NC = 2
_NS = 16
_NW = _NC * _NS
_ROWS_PER_W = _OUT_ROWS // _NW
_CHUNK = 8
_NCHUNK = _ROWS_PER_W // _CHUNK
_NBUF = 6
_LOOK = 3

_mesh = plsc.VectorSubcoreMesh(
    core_axis_name="c", subcore_axis_name="s", num_cores=_NC, num_subcores=_NS
)


@functools.partial(
    pl.kernel,
    out_type=jax.ShapeDtypeStruct((_OUT_ROWS, _D), jnp.float32),
    mesh=_mesh,
    scratch_types=[
        pltpu.VMEM((16,), jnp.int32),
        [pltpu.VMEM((_CHUNK, _D), jnp.float32)] * _NBUF,
        [pltpu.SemaphoreType.DMA] * _NBUF,
        [pltpu.SemaphoreType.DMA] * _NBUF,
    ],
)
def _sc_slice_copy(table_hbm, seq_hbm, out_hbm, seq_v, bufs, gsems, ssems):
    wid = lax.axis_index("s") * _NC + lax.axis_index("c")
    base = wid * _ROWS_PER_W

    pltpu.sync_copy(seq_hbm, seq_v)
    seq = seq_v[...]
    start = jnp.minimum(jnp.maximum(seq - _OUT_ROWS, 0), _MAX_ROWS - _OUT_ROWS)
    s = lax.squeeze(lax.slice(start, (0,), (1,)), (0,))

    gath = [None] * _NBUF
    scat = [None] * _NBUF
    for g in range(_NCHUNK + _LOOK):
        if g < _NCHUNK:
            b = g % _NBUF
            src = pl.multiple_of((s + base + g * _CHUNK) // 8 * 8, 8)
            if scat[b] is not None:
                scat[b].wait()
            gath[b] = pltpu.make_async_copy(
                table_hbm.at[pl.ds(src, _CHUNK)], bufs[b], gsems[b]
            )
            gath[b].start()
        if g >= _LOOK:
            pb = (g - _LOOK) % _NBUF
            dst = pl.multiple_of(base + (g - _LOOK) * _CHUNK, 8)
            gath[pb].wait()
            scat[pb] = pltpu.make_async_copy(
                bufs[pb], out_hbm.at[pl.ds(dst, _CHUNK)], ssems[pb]
            )
            scat[pb].start()
    for h in scat:
        if h is not None:
            h.wait()


def kernel(position_codes, seq_length):
    seq_vec = jnp.full((16,), seq_length, dtype=jnp.int32)
    return _sc_slice_copy(position_codes, seq_vec)

# --- scband reference (transcript-rebuilt; emitter-appended) ---
"""Pipeline reference for scband-positional-encoding-51230369907068 (READ-ONLY COPY).

The authoritative reference and input builder live on the scoring server;
editing this copy changes nothing except your own understanding.
"""

import jax, jax.numpy as jnp
import numpy as np
import math

MAX_CONTEXT_LENGTH = 8192
D_MODEL = 2048

def setup_inputs(seed: int = 0) -> dict:
    key = jax.random.key(seed)
    std = math.sqrt(1.0 / D_MODEL)
    position_codes = jax.random.normal(key, (MAX_CONTEXT_LENGTH, D_MODEL), dtype=jnp.float32) * std
    return {"position_codes": position_codes, "seq_length": 4096}

def reference(position_codes, seq_length):
    # Faithful translation: return the first seq_length rows of the learned
    # positional code table (a gather of a contiguous index range).
    return jax.lax.dynamic_slice_in_dim(position_codes, seq_length - 4096, 4096, axis=0)

if __name__ == "__main__":
    import jax
    _d = setup_inputs()
    print(jax.jit(kernel)(*tuple(_d.values())))

</pallas_src>

<mosaic_0001>
#map = affine_map<(d0, d1) -> (0, 0)>
#map1 = affine_map<(d0, d1) -> (0)>
module attributes {stable_mosaic.version = 14 : i64} {
  func.func @_sc_slice_copy(%arg0: i32, %arg1: i32, %arg2: memref<8192x2048xf32, #tpu.memory_space<hbm>>, %arg3: memref<16xi32, #tpu.memory_space<hbm>>, %arg4: memref<4096x2048xf32, #tpu.memory_space<hbm>>, %arg5: memref<16xi32, #tpu.memory_space<vmem>>, %arg6: memref<8x2048xf32, #tpu.memory_space<vmem>>, %arg7: memref<8x2048xf32, #tpu.memory_space<vmem>>, %arg8: memref<8x2048xf32, #tpu.memory_space<vmem>>, %arg9: memref<8x2048xf32, #tpu.memory_space<vmem>>, %arg10: memref<8x2048xf32, #tpu.memory_space<vmem>>, %arg11: memref<8x2048xf32, #tpu.memory_space<vmem>>, %arg12: memref<!tpu.dma_semaphore, #tpu.memory_space<semaphore_mem>>, %arg13: memref<!tpu.dma_semaphore, #tpu.memory_space<semaphore_mem>>, %arg14: memref<!tpu.dma_semaphore, #tpu.memory_space<semaphore_mem>>, %arg15: memref<!tpu.dma_semaphore, #tpu.memory_space<semaphore_mem>>, %arg16: memref<!tpu.dma_semaphore, #tpu.memory_space<semaphore_mem>>, %arg17: memref<!tpu.dma_semaphore, #tpu.memory_space<semaphore_mem>>, %arg18: memref<!tpu.dma_semaphore, #tpu.memory_space<semaphore_mem>>, %arg19: memref<!tpu.dma_semaphore, #tpu.memory_space<semaphore_mem>>, %arg20: memref<!tpu.dma_semaphore, #tpu.memory_space<semaphore_mem>>, %arg21: memref<!tpu.dma_semaphore, #tpu.memory_space<semaphore_mem>>, %arg22: memref<!tpu.dma_semaphore, #tpu.memory_space<semaphore_mem>>, %arg23: memref<!tpu.dma_semaphore, #tpu.memory_space<semaphore_mem>>) attributes {dimension_semantics = [#tpu.dimension_semantics<core_parallel>, #tpu.dimension_semantics<subcore_parallel>], iteration_bounds = array<i64: 2, 16>, scalar_prefetch = 0 : i64, scratch_operands = 19 : i64, tpu.core_type = #tpu.core_type<sc_vector_subcore>, window_params = [{transform_indices = #map}, {transform_indices = #map1}, {transform_indices = #map}]} {
    %mul3A = arith.constant 2 : i32
    %mul3A_0 = arith.muli %arg1, %mul3A : i32
    %add3A = arith.addi %mul3A_0, %arg0 : i32
    %mul3A_1 = arith.constant 128 : i32
    %mul3A_2 = arith.muli %add3A, %mul3A_1 : i32
    "tpu.region"() ({
      %run_scoped3A = tpu.sem_alloc : memref<!tpu.dma_semaphore, #tpu.memory_space<semaphore_mem>>
      tpu.enqueue_dma source(%arg3 : memref<16xi32, #tpu.memory_space<hbm>>) target(%arg5 : memref<16xi32, #tpu.memory_space<vmem>>) target_semaphore(%run_scoped3A : memref<!tpu.dma_semaphore, #tpu.memory_space<semaphore_mem>>)
      tpu.wait_dma2 semaphore(%run_scoped3A : memref<!tpu.dma_semaphore, #tpu.memory_space<semaphore_mem>>) src(%arg3 : memref<16xi32, #tpu.memory_space<hbm>>) dst(%arg5 : memref<16xi32, #tpu.memory_space<vmem>>)
      tpu.yield
    }) : () -> ()
    %get3A = arith.constant 0 : index
    %get3A_3 = tpu.vector_load %arg5[%get3A] {strides = array<i32>} : memref<16xi32, #tpu.memory_space<vmem>>, vector<16xi32>,
    %get3A_4 = vector.shape_cast %get3A_3 : vector<16xi32> to vector<16xi32>
    %sub3A = arith.constant 4096 : i32
    %sub3A_5 = vector.broadcast %sub3A : i32 to vector<16xi32>
    %sub3A_6 = arith.subi %get3A_4, %sub3A_5 : vector<16xi32>
    %max3A = arith.constant 0 : i32
    %max3A_7 = vector.broadcast %max3A : i32 to vector<16xi32>
    %max3A_8 = arith.maxsi %sub3A_6, %max3A_7 : vector<16xi32>
    %min3A = arith.constant 4096 : i32
    %min3A_9 = vector.broadcast %min3A : i32 to vector<16xi32>
    %min3A_10 = arith.minsi %max3A_8, %min3A_9 : vector<16xi32>
    %slice3A = vector.extract_strided_slice %min3A_10 {offsets = [0], sizes = [1], strides = [1]} : vector<16xi32> to vector<1xi32>
    %squeeze3A = vector.extract %slice3A[0] : i32 from vector<1xi32>
    %add3A_11 = arith.addi %squeeze3A, %mul3A_2 : i32
    %add3A_12 = arith.constant 0 : i32
    %add3A_13 = arith.addi %add3A_11, %add3A_12 : i32
    %jit3A = arith.constant 8 : i32
    %div3A = arith.divsi %add3A_13, %jit3A : i32
    %sign3A = arith.constant 0 : i32
    %sign3A_14 = arith.cmpi sgt, %add3A_13, %sign3A : i32
    %sign3A_15 = arith.extui %sign3A_14 : i1 to i32
    %sign3A_16 = arith.constant 0 : i32
    %sign3A_17 = arith.cmpi slt, %add3A_13, %sign3A_16 : i32
    %sign3A_18 = arith.extui %sign3A_17 : i1 to i32
    %sign3A_19 = arith.subi %sign3A_15, %sign3A_18 : i32
    %sign3A_20 = arith.constant 0 : i32
    %sign3A_21 = arith.cmpi sgt, %jit3A, %sign3A_20 : i32
    %sign3A_22 = arith.extui %sign3A_21 : i1 to i32
    %sign3A_23 = arith.constant 0 : i32
    %sign3A_24 = arith.cmpi slt, %jit3A, %sign3A_23 : i32
    %sign3A_25 = arith.extui %sign3A_24 : i1 to i32
    %sign3A_26 = arith.subi %sign3A_22, %sign3A_25 : i32
    %ne3A = arith.cmpi ne, %sign3A_19, %sign3A_26 : i32
    %rem3A = arith.remsi %add3A_13, %jit3A : i32
    %ne3A_27 = arith.constant 0 : i32
    %ne3A_28 = arith.cmpi ne, %rem3A, %ne3A_27 : i32
    %and3A = arith.andi %ne3A, %ne3A_28 : i1
    %sub3A_29 = arith.constant 1 : i32
    %sub3A_30 = arith.subi %div3A, %sub3A_29 : i32
    %select_n3A = arith.select %and3A, %sub3A_30, %div3A : i32
    %mul3A_31 = arith.constant 8 : i32
    %mul3A_32 = arith.muli %select_n3A, %mul3A_31 : i32
    %multiple_of3A = tpu.assume_multiple %mul3A_32, 8 : i32
    %dma_start3A = arith.constant 0 : i32
    %dma_start3A_33 = tpu.memref_slice %arg2[%multiple_of3A, %dma_start3A] : memref<8192x2048xf32, #tpu.memory_space<hbm>> -> memref<8x2048xf32, #tpu.memory_space<hbm>>
    %dma_start3A_34 = arith.constant 0 : i32
    %dma_start3A_35 = tpu.memref_slice %arg2[%multiple_of3A, %dma_start3A_34] : memref<8192x2048xf32, #tpu.memory_space<hbm>> -> memref<8x2048xf32, #tpu.memory_space<hbm>>
    tpu.enqueue_dma source(%dma_start3A_35 : memref<8x2048xf32, #tpu.memory_space<hbm>>) target(%arg6 : memref<8x2048xf32, #tpu.memory_space<vmem>>) target_semaphore(%arg12 : memref<!tpu.dma_semaphore, #tpu.memory_space<semaphore_mem>>)
    %add3A_36 = arith.addi %squeeze3A, %mul3A_2 : i32
    %add3A_37 = arith.constant 8 : i32
    %add3A_38 = arith.addi %add3A_36, %add3A_37 : i32
    %jit3A_39 = arith.constant 8 : i32
    %div3A_40 = arith.divsi %add3A_38, %jit3A_39 : i32
    %sign3A_41 = arith.constant 0 : i32
    %sign3A_42 = arith.cmpi sgt, %add3A_38, %sign3A_41 : i32
    %sign3A_43 = arith.extui %sign3A_42 : i1 to i32
    %sign3A_44 = arith.constant 0 : i32
    %sign3A_45 = arith.cmpi slt, %add3A_38, %sign3A_44 : i32
    %sign3A_46 = arith.extui %sign3A_45 : i1 to i32
    %sign3A_47 = arith.subi %sign3A_43, %sign3A_46 : i32
    %sign3A_48 = arith.constant 0 : i32
    %sign3A_49 = arith.cmpi sgt, %jit3A_39, %sign3A_48 : i32
    %sign3A_50 = arith.extui %sign3A_49 : i1 to i32
    %sign3A_51 = arith.constant 0 : i32
    %sign3A_52 = arith.cmpi slt, %jit3A_39, %sign3A_51 : i32
    %sign3A_53 = arith.extui %sign3A_52 : i1 to i32
    %sign3A_54 = arith.subi %sign3A_50, %sign3A_53 : i32
    %ne3A_55 = arith.cmpi ne, %sign3A_47, %sign3A_54 : i32
    %rem3A_56 = arith.remsi %add3A_38, %jit3A_39 : i32
    %ne3A_57 = arith.constant 0 : i32
    %ne3A_58 = arith.cmpi ne, %rem3A_56, %ne3A_57 : i32
    %and3A_59 = arith.andi %ne3A_55, %ne3A_58 : i1
    %sub3A_60 = arith.constant 1 : i32
    %sub3A_61 = arith.subi %div3A_40, %sub3A_60 : i32
    %select_n3A_62 = arith.select %and3A_59, %sub3A_61, %div3A_40 : i32
    %mul3A_63 = arith.constant 8 : i32
    %mul3A_64 = arith.muli %select_n3A_62, %mul3A_63 : i32
    %multiple_of3A_65 = tpu.assume_multiple %mul3A_64, 8 : i32
    %dma_start3A_66 = arith.constant 0 : i32
    %dma_start3A_67 = tpu.memref_slice %arg2[%multiple_of3A_65, %dma_start3A_66] : memref<8192x2048xf32, #tpu.memory_space<hbm>> -> memref<8x2048xf32, #tpu.memory_space<hbm>>
    %dma_start3A_68 = arith.constant 0 : i32
    %dma_start3A_69 = tpu.memref_slice %arg2[%multiple_of3A_65, %dma_start3A_68] : memref<8192x2048xf32, #tpu.memory_space<hbm>> -> memref<8x2048xf32, #tpu.memory_space<hbm>>
    tpu.enqueue_dma source(%dma_start3A_69 : memref<8x2048xf32, #tpu.memory_space<hbm>>) target(%arg7 : memref<8x2048xf32, #tpu.memory_space<vmem>>) target_semaphore(%arg13 : memref<!tpu.dma_semaphore, #tpu.memory_space<semaphore_mem>>)
    %add3A_70 = arith.addi %squeeze3A, %mul3A_2 : i32
    %add3A_71 = arith.constant 16 : i32
    %add3A_72 = arith.addi %add3A_70, %add3A_71 : i32
    %jit3A_73 = arith.constant 8 : i32
    %div3A_74 = arith.divsi %add3A_72, %jit3A_73 : i32
    %sign3A_75 = arith.constant 0 : i32
    %sign3A_76 = arith.cmpi sgt, %add3A_72, %sign3A_75 : i32
    %sign3A_77 = arith.extui %sign3A_76 : i1 to i32
    %sign3A_78 = arith.constant 0 : i32
    %sign3A_79 = arith.cmpi slt, %add3A_72, %sign3A_78 : i32
    %sign3A_80 = arith.extui %sign3A_79 : i1 to i32
    %sign3A_81 = arith.subi %sign3A_77, %sign3A_80 : i32
    %sign3A_82 = arith.constant 0 : i32
    %sign3A_83 = arith.cmpi sgt, %jit3A_73, %sign3A_82 : i32
    %sign3A_84 = arith.extui %sign3A_83 : i1 to i32
    %sign3A_85 = arith.constant 0 : i32
    %sign3A_86 = arith.cmpi slt, %jit3A_73, %sign3A_85 : i32
    %sign3A_87 = arith.extui %sign3A_86 : i1 to i32
    %sign3A_88 = arith.subi %sign3A_84, %sign3A_87 : i32
    %ne3A_89 = arith.cmpi ne, %sign3A_81, %sign3A_88 : i32
    %rem3A_90 = arith.remsi %add3A_72, %jit3A_73 : i32
    %ne3A_91 = arith.constant 0 : i32
    %ne3A_92 = arith.cmpi ne, %rem3A_90, %ne3A_91 : i32
    %and3A_93 = arith.andi %ne3A_89, %ne3A_92 : i1
    %sub3A_94 = arith.constant 1 : i32
    %sub3A_95 = arith.subi %div3A_74, %sub3A_94 : i32
    %select_n3A_96 = arith.select %and3A_93, %sub3A_95, %div3A_74 : i32
    %mul3A_97 = arith.constant 8 : i32
    %mul3A_98 = arith.muli %select_n3A_96, %mul3A_97 : i32
    %multiple_of3A_99 = tpu.assume_multiple %mul3A_98, 8 : i32
    %dma_start3A_100 = arith.constant 0 : i32
    %dma_start3A_101 = tpu.memref_slice %arg2[%multiple_of3A_99, %dma_start3A_100] : memref<8192x2048xf32, #tpu.memory_space<hbm>> -> memref<8x2048xf32, #tpu.memory_space<hbm>>
    %dma_start3A_102 = arith.constant 0 : i32
    %dma_start3A_103 = tpu.memref_slice %arg2[%multiple_of3A_99, %dma_start3A_102] : memref<8192x2048xf32, #tpu.memory_space<hbm>> -> memref<8x2048xf32, #tpu.memory_space<hbm>>
    tpu.enqueue_dma source(%dma_start3A_103 : memref<8x2048xf32, #tpu.memory_space<hbm>>) target(%arg8 : memref<8x2048xf32, #tpu.memory_space<vmem>>) target_semaphore(%arg14 : memref<!tpu.dma_semaphore, #tpu.memory_space<semaphore_mem>>)
    %add3A_104 = arith.addi %squeeze3A, %mul3A_2 : i32
    %add3A_105 = arith.constant 24 : i32
    %add3A_106 = arith.addi %add3A_104, %add3A_105 : i32
    %jit3A_107 = arith.constant 8 : i32
    %div3A_108 = arith.divsi %add3A_106, %jit3A_107 : i32
    %sign3A_109 = arith.constant 0 : i32
    %sign3A_110 = arith.cmpi sgt, %add3A_106, %sign3A_109 : i32
    %sign3A_111 = arith.extui %sign3A_110 : i1 to i32
    %sign3A_112 = arith.constant 0 : i32
    %sign3A_113 = arith.cmpi slt, %add3A_106, %sign3A_112 : i32
    %sign3A_114 = arith.extui %sign3A_113 : i1 to i32
    %sign3A_115 = arith.subi %sign3A_111, %sign3A_114 : i32
    %sign3A_116 = arith.constant 0 : i32
    %sign3A_117 = arith.cmpi sgt, %jit3A_107, %sign3A_116 : i32
    %sign3A_118 = arith.extui %sign3A_117 : i1 to i32
    %sign3A_119 = arith.constant 0 : i32
    %sign3A_120 = arith.cmpi slt, %jit3A_107, %sign3A_119 : i32
    %sign3A_121 = arith.extui %sign3A_120 : i1 to i32
    %sign3A_122 = arith.subi %sign3A_118, %sign3A_121 : i32
    %ne3A_123 = arith.cmpi ne, %sign3A_115, %sign3A_122 : i32
    %rem3A_124 = arith.remsi %add3A_106, %jit3A_107 : i32
    %ne3A_125 = arith.constant 0 : i32
    %ne3A_126 = arith.cmpi ne, %rem3A_124, %ne3A_125 : i32
    %and3A_127 = arith.andi %ne3A_123, %ne3A_126 : i1
    %sub3A_128 = arith.constant 1 : i32
    %sub3A_129 = arith.subi %div3A_108, %sub3A_128 : i32
    %select_n3A_130 = arith.select %and3A_127, %sub3A_129, %div3A_108 : i32
    %mul3A_131 = arith.constant 8 : i32
    %mul3A_132 = arith.muli %select_n3A_130, %mul3A_131 : i32
    %multiple_of3A_133 = tpu.assume_multiple %mul3A_132, 8 : i32
    %dma_start3A_134 = arith.constant 0 : i32
    %dma_start3A_135 = tpu.memref_slice %arg2[%multiple_of3A_133, %dma_start3A_134] : memref<8192x2048xf32, #tpu.memory_space<hbm>> -> memref<8x2048xf32, #tpu.memory_space<hbm>>
    %dma_start3A_136 = arith.constant 0 : i32
    %dma_start3A_137 = tpu.memref_slice %arg2[%multiple_of3A_133, %dma_start3A_136] : memref<8192x2048xf32, #tpu.memory_space<hbm>> -> memref<8x2048xf32, #tpu.memory_space<hbm>>
    tpu.enqueue_dma source(%dma_start3A_137 : memref<8x2048xf32, #tpu.memory_space<hbm>>) target(%arg9 : memref<8x2048xf32, #tpu.memory_space<vmem>>) target_semaphore(%arg15 : memref<!tpu.dma_semaphore, #tpu.memory_space<semaphore_mem>>)
    %add3A_138 = arith.constant 0 : i32
    %add3A_139 = arith.addi %mul3A_2, %add3A_138 : i32
    %multiple_of3A_140 = tpu.assume_multiple %add3A_139, 8 : i32
    %dma_wait3A = arith.constant 0 : i32
    %dma_wait3A_141 = tpu.memref_slice %arg2[%multiple_of3A, %dma_wait3A] : memref<8192x2048xf32, #tpu.memory_space<hbm>> -> memref<8x2048xf32, #tpu.memory_space<hbm>>
    %dma_wait3A_142 = arith.constant 0 : i32
    %dma_wait3A_143 = tpu.memref_slice %arg2[%multiple_of3A, %dma_wait3A_142] : memref<8192x2048xf32, #tpu.memory_space<hbm>> -> memref<8x2048xf32, #tpu.memory_space<hbm>>
    tpu.wait_dma2 semaphore(%arg12 : memref<!tpu.dma_semaphore, #tpu.memory_space<semaphore_mem>>) src(%dma_wait3A_143 : memref<8x2048xf32, #tpu.memory_space<hbm>>) dst(%arg6 : memref<8x2048xf32, #tpu.memory_space<vmem>>)
    %dma_start3A_144 = arith.constant 0 : i32
    %dma_start3A_145 = tpu.memref_slice %arg4[%multiple_of3A_140, %dma_start3A_144] : memref<4096x2048xf32, #tpu.memory_space<hbm>> -> memref<8x2048xf32, #tpu.memory_space<hbm>>
    %dma_start3A_146 = arith.constant 0 : i32
    %dma_start3A_147 = tpu.memref_slice %arg4[%multiple_of3A_140, %dma_start3A_146] : memref<4096x2048xf32, #tpu.memory_space<hbm>> -> memref<8x2048xf32, #tpu.memory_space<hbm>>
    tpu.enqueue_dma source(%arg6 : memref<8x2048xf32, #tpu.memory_space<vmem>>) target(%dma_start3A_147 : memref<8x2048xf32, #tpu.memory_space<hbm>>) target_semaphore(%arg18 : memref<!tpu.dma_semaphore, #tpu.memory_space<semaphore_mem>>)
    %add3A_148 = arith.addi %squeeze3A, %mul3A_2 : i32
    %add3A_149 = arith.constant 32 : i32
    %add3A_150 = arith.addi %add3A_148, %add3A_149 : i32
    %jit3A_151 = arith.constant 8 : i32
    %div3A_152 = arith.divsi %add3A_150, %jit3A_151 : i32
    %sign3A_153 = arith.constant 0 : i32
    %sign3A_154 = arith.cmpi sgt, %add3A_150, %sign3A_153 : i32
    %sign3A_155 = arith.extui %sign3A_154 : i1 to i32
    %sign3A_156 = arith.constant 0 : i32
    %sign3A_157 = arith.cmpi slt, %add3A_150, %sign3A_156 : i32
    %sign3A_158 = arith.extui %sign3A_157 : i1 to i32
    %sign3A_159 = arith.subi %sign3A_155, %sign3A_158 : i32
    %sign3A_160 = arith.constant 0 : i32
    %sign3A_161 = arith.cmpi sgt, %jit3A_151, %sign3A_160 : i32
    %sign3A_162 = arith.extui %sign3A_161 : i1 to i32
    %sign3A_163 = arith.constant 0 : i32
    %sign3A_164 = arith.cmpi slt, %jit3A_151, %sign3A_163 : i32
    %sign3A_165 = arith.extui %sign3A_164 : i1 to i32
    %sign3A_166 = arith.subi %sign3A_162, %sign3A_165 : i32
    %ne3A_167 = arith.cmpi ne, %sign3A_159, %sign3A_166 : i32
    %rem3A_168 = arith.remsi %add3A_150, %jit3A_151 : i32
    %ne3A_169 = arith.constant 0 : i32
    %ne3A_170 = arith.cmpi ne, %rem3A_168, %ne3A_169 : i32
    %and3A_171 = arith.andi %ne3A_167, %ne3A_170 : i1
    %sub3A_172 = arith.constant 1 : i32
    %sub3A_173 = arith.subi %div3A_152, %sub3A_172 : i32
    %select_n3A_174 = arith.select %and3A_171, %sub3A_173, %div3A_152 : i32
    %mul3A_175 = arith.constant 8 : i32
    %mul3A_176 = arith.muli %select_n3A_174, %mul3A_175 : i32
    %multiple_of3A_177 = tpu.assume_multiple %mul3A_176, 8 : i32
    %dma_start3A_178 = arith.constant 0 : i32
    %dma_start3A_179 = tpu.memref_slice %arg2[%multiple_of3A_177, %dma_start3A_178] : memref<8192x2048xf32, #tpu.memory_space<hbm>> -> memref<8x2048xf32, #tpu.memory_space<hbm>>
    %dma_start3A_180 = arith.constant 0 : i32
    %dma_start3A_181 = tpu.memref_slice %arg2[%multiple_of3A_177, %dma_start3A_180] : memref<8192x2048xf32, #tpu.memory_space<hbm>> -> memref<8x2048xf32, #tpu.memory_space<hbm>>
    tpu.enqueue_dma source(%dma_start3A_181 : memref<8x2048xf32, #tpu.memory_space<hbm>>) target(%arg10 : memref<8x2048xf32, #tpu.memory_space<vmem>>) target_semaphore(%arg16 : memref<!tpu.dma_semaphore, #tpu.memory_space<semaphore_mem>>)
    %add3A_182 = arith.constant 8 : i32
    %add3A_183 = arith.addi %mul3A_2, %add3A_182 : i32
    %multiple_of3A_184 = tpu.assume_multiple %add3A_183, 8 : i32
    %dma_wait3A_185 = arith.constant 0 : i32
    %dma_wait3A_186 = tpu.memref_slice %arg2[%multiple_of3A_65, %dma_wait3A_185] : memref<8192x2048xf32, #tpu.memory_space<hbm>> -> memref<8x2048xf32, #tpu.memory_space<hbm>>
    %dma_wait3A_187 = arith.constant 0 : i32
    %dma_wait3A_188 = tpu.memref_slice %arg2[%multiple_of3A_65, %dma_wait3A_187] : memref<8192x2048xf32, #tpu.memory_space<hbm>> -> memref<8x2048xf32, #tpu.memory_space<hbm>>
    tpu.wait_dma2 semaphore(%arg13 : memref<!tpu.dma_semaphore, #tpu.memory_space<semaphore_mem>>) src(%dma_wait3A_188 : memref<8x2048xf32, #tpu.memory_space<hbm>>) dst(%arg7 : memref<8x2048xf32, #tpu.memory_space<vmem>>)
    %dma_start3A_189 = arith.constant 0 : i32
    %dma_start3A_190 = tpu.memref_slice %arg4[%multiple_of3A_184, %dma_start3A_189] : memref<4096x2048xf32, #tpu.memory_space<hbm>> -> memref<8x2048xf32, #tpu.memory_space<hbm>>
    %dma_start3A_191 = arith.constant 0 : i32
    %dma_start3A_192 = tpu.memref_slice %arg4[%multiple_of3A_184, %dma_start3A_191] : memref<4096x2048xf32, #tpu.memory_space<hbm>> -> memref<8x2048xf32, #tpu.memory_space<hbm>>
    tpu.enqueue_dma source(%arg7 : memref<8x2048xf32, #tpu.memory_space<vmem>>) target(%dma_start3A_192 : memref<8x2048xf32, #tpu.memory_space<hbm>>) target_semaphore(%arg19 : memref<!tpu.dma_semaphore, #tpu.memory_space<semaphore_mem>>)
    %add3A_193 = arith.addi %squeeze3A, %mul3A_2 : i32
    %add3A_194 = arith.constant 40 : i32
    %add3A_195 = arith.addi %add3A_193, %add3A_194 : i32
    %jit3A_196 = arith.constant 8 : i32
    %div3A_197 = arith.divsi %add3A_195, %jit3A_196 : i32
    %sign3A_198 = arith.constant 0 : i32
    %sign3A_199 = arith.cmpi sgt, %add3A_195, %sign3A_198 : i32
    %sign3A_200 = arith.extui %sign3A_199 : i1 to i32
    %sign3A_201 = arith.constant 0 : i32
    %sign3A_202 = arith.cmpi slt, %add3A_195, %sign3A_201 : i32
    %sign3A_203 = arith.extui %sign3A_202 : i1 to i32
    %sign3A_204 = arith.subi %sign3A_200, %sign3A_203 : i32
    %sign3A_205 = arith.constant 0 : i32
    %sign3A_206 = arith.cmpi sgt, %jit3A_196, %sign3A_205 : i32
    %sign3A_207 = arith.extui %sign3A_206 : i1 to i32
    %sign3A_208 = arith.constant 0 : i32
    %sign3A_209 = arith.cmpi slt, %jit3A_196, %sign3A_208 : i32
    %sign3A_210 = arith.extui %sign3A_209 : i1 to i32
    %sign3A_211 = arith.subi %sign3A_207, %sign3A_210 : i32
    %ne3A_212 = arith.cmpi ne, %sign3A_204, %sign3A_211 : i32
    %rem3A_213 = arith.remsi %add3A_195, %jit3A_196 : i32
    %ne3A_214 = arith.constant 0 : i32
    %ne3A_215 = arith.cmpi ne, %rem3A_213, %ne3A_214 : i32
    %and3A_216 = arith.andi %ne3A_212, %ne3A_215 : i1
    %sub3A_217 = arith.constant 1 : i32
    %sub3A_218 = arith.subi %div3A_197, %sub3A_217 : i32
    %select_n3A_219 = arith.select %and3A_216, %sub3A_218, %div3A_197 : i32
    %mul3A_220 = arith.constant 8 : i32
    %mul3A_221 = arith.muli %select_n3A_219, %mul3A_220 : i32
    %multiple_of3A_222 = tpu.assume_multiple %mul3A_221, 8 : i32
    %dma_start3A_223 = arith.constant 0 : i32
    %dma_start3A_224 = tpu.memref_slice %arg2[%multiple_of3A_222, %dma_start3A_223] : memref<8192x2048xf32, #tpu.memory_space<hbm>> -> memref<8x2048xf32, #tpu.memory_space<hbm>>
    %dma_start3A_225 = arith.constant 0 : i32
    %dma_start3A_226 = tpu.memref_slice %arg2[%multiple_of3A_222, %dma_start3A_225] : memref<8192x2048xf32, #tpu.memory_space<hbm>> -> memref<8x2048xf32, #tpu.memory_space<hbm>>
    tpu.enqueue_dma source(%dma_start3A_226 : memref<8x2048xf32, #tpu.memory_space<hbm>>) target(%arg11 : memref<8x2048xf32, #tpu.memory_space<vmem>>) target_semaphore(%arg17 : memref<!tpu.dma_semaphore, #tpu.memory_space<semaphore_mem>>)
    %add3A_227 = arith.constant 16 : i32
    %add3A_228 = arith.addi %mul3A_2, %add3A_227 : i32
    %multiple_of3A_229 = tpu.assume_multiple %add3A_228, 8 : i32
    %dma_wait3A_230 = arith.constant 0 : i32
    %dma_wait3A_231 = tpu.memref_slice %arg2[%multiple_of3A_99, %dma_wait3A_230] : memref<8192x2048xf32, #tpu.memory_space<hbm>> -> memref<8x2048xf32, #tpu.memory_space<hbm>>
    %dma_wait3A_232 = arith.constant 0 : i32
    %dma_wait3A_233 = tpu.memref_slice %arg2[%multiple_of3A_99, %dma_wait3A_232] : memref<8192x2048xf32, #tpu.memory_space<hbm>> -> memref<8x2048xf32, #tpu.memory_space<hbm>>
    tpu.wait_dma2 semaphore(%arg14 : memref<!tpu.dma_semaphore, #tpu.memory_space<semaphore_mem>>) src(%dma_wait3A_233 : memref<8x2048xf32, #tpu.memory_space<hbm>>) dst(%arg8 : memref<8x2048xf32, #tpu.memory_space<vmem>>)
    %dma_start3A_234 = arith.constant 0 : i32
    %dma_start3A_235 = tpu.memref_slice %arg4[%multiple_of3A_229, %dma_start3A_234] : memref<4096x2048xf32, #tpu.memory_space<hbm>> -> memref<8x2048xf32, #tpu.memory_space<hbm>>
    %dma_start3A_236 = arith.constant 0 : i32
    %dma_start3A_237 = tpu.memref_slice %arg4[%multiple_of3A_229, %dma_start3A_236] : memref<4096x2048xf32, #tpu.memory_space<hbm>> -> memref<8x2048xf32, #tpu.memory_space<hbm>>
    tpu.enqueue_dma source(%arg8 : memref<8x2048xf32, #tpu.memory_space<vmem>>) target(%dma_start3A_237 : memref<8x2048xf32, #tpu.memory_space<hbm>>) target_semaphore(%arg20 : memref<!tpu.dma_semaphore, #tpu.memory_space<semaphore_mem>>)
    %add3A_238 = arith.addi %squeeze3A, %mul3A_2 : i32
    %add3A_239 = arith.constant 48 : i32
    %add3A_240 = arith.addi %add3A_238, %add3A_239 : i32
    %jit3A_241 = arith.constant 8 : i32
    %div3A_242 = arith.divsi %add3A_240, %jit3A_241 : i32
    %sign3A_243 = arith.constant 0 : i32
    %sign3A_244 = arith.cmpi sgt, %add3A_240, %sign3A_243 : i32
    %sign3A_245 = arith.extui %sign3A_244 : i1 to i32
    %sign3A_246 = arith.constant 0 : i32
    %sign3A_247 = arith.cmpi slt, %add3A_240, %sign3A_246 : i32
    %sign3A_248 = arith.extui %sign3A_247 : i1 to i32
    %sign3A_249 = arith.subi %sign3A_245, %sign3A_248 : i32
    %sign3A_250 = arith.constant 0 : i32
    %sign3A_251 = arith.cmpi sgt, %jit3A_241, %sign3A_250 : i32
    %sign3A_252 = arith.extui %sign3A_251 : i1 to i32
    %sign3A_253 = arith.constant 0 : i32
    %sign3A_254 = arith.cmpi slt, %jit3A_241, %sign3A_253 : i32
    %sign3A_255 = arith.extui %sign3A_254 : i1 to i32
    %sign3A_256 = arith.subi %sign3A_252, %sign3A_255 : i32
    %ne3A_257 = arith.cmpi ne, %sign3A_249, %sign3A_256 : i32
    %rem3A_258 = arith.remsi %add3A_240, %jit3A_241 : i32
    %ne3A_259 = arith.constant 0 : i32
    %ne3A_260 = arith.cmpi ne, %rem3A_258, %ne3A_259 : i32
    %and3A_261 = arith.andi %ne3A_257, %ne3A_260 : i1
    %sub3A_262 = arith.constant 1 : i32
    %sub3A_263 = arith.subi %div3A_242, %sub3A_262 : i32
    %select_n3A_264 = arith.select %and3A_261, %sub3A_263, %div3A_242 : i32
    %mul3A_265 = arith.constant 8 : i32
    %mul3A_266 = arith.muli %select_n3A_264, %mul3A_265 : i32
    %multiple_of3A_267 = tpu.assume_multiple %mul3A_266, 8 : i32
    %dma_wait3A_268 = arith.constant 0 : i32
    %dma_wait3A_269 = tpu.memref_slice %arg4[%multiple_of3A_140, %dma_wait3A_268] : memref<4096x2048xf32, #tpu.memory_space<hbm>> -> memref<8x2048xf32, #tpu.memory_space<hbm>>
    %dma_wait3A_270 = arith.constant 0 : i32
    %dma_wait3A_271 = tpu.memref_slice %arg4[%multiple_of3A_140, %dma_wait3A_270] : memref<4096x2048xf32, #tpu.memory_space<hbm>> -> memref<8x2048xf32, #tpu.memory_space<hbm>>
    tpu.wait_dma2 semaphore(%arg18 : memref<!tpu.dma_semaphore, #tpu.memory_space<semaphore_mem>>) src(%arg6 : memref<8x2048xf32, #tpu.memory_space<vmem>>) dst(%dma_wait3A_271 : memref<8x2048xf32, #tpu.memory_space<hbm>>)
    %dma_start3A_272 = arith.constant 0 : i32
    %dma_start3A_273 = tpu.memref_slice %arg2[%multiple_of3A_267, %dma_start3A_272] : memref<8192x2048xf32, #tpu.memory_space<hbm>> -> memref<8x2048xf32, #tpu.memory_space<hbm>>
    %dma_start3A_274 = arith.constant 0 : i32
    %dma_start3A_275 = tpu.memref_slice %arg2[%multiple_of3A_267, %dma_start3A_274] : memref<8192x2048xf32, #tpu.memory_space<hbm>> -> memref<8x2048xf32, #tpu.memory_space<hbm>>
    tpu.enqueue_dma source(%dma_start3A_275 : memref<8x2048xf32, #tpu.memory_space<hbm>>) target(%arg6 : memref<8x2048xf32, #tpu.memory_space<vmem>>) target_semaphore(%arg12 : memref<!tpu.dma_semaphore, #tpu.memory_space<semaphore_mem>>)
    %add3A_276 = arith.constant 24 : i32
    %add3A_277 = arith.addi %mul3A_2, %add3A_276 : i32
    %multiple_of3A_278 = tpu.assume_multiple %add3A_277, 8 : i32
    %dma_wait3A_279 = arith.constant 0 : i32
    %dma_wait3A_280 = tpu.memref_slice %arg2[%multiple_of3A_133, %dma_wait3A_279] : memref<8192x2048xf32, #tpu.memory_space<hbm>> -> memref<8x2048xf32, #tpu.memory_space<hbm>>
    %dma_wait3A_281 = arith.constant 0 : i32
    %dma_wait3A_282 = tpu.memref_slice %arg2[%multiple_of3A_133, %dma_wait3A_281] : memref<8192x2048xf32, #tpu.memory_space<hbm>> -> memref<8x2048xf32, #tpu.memory_space<hbm>>
    tpu.wait_dma2 semaphore(%arg15 : memref<!tpu.dma_semaphore, #tpu.memory_space<semaphore_mem>>) src(%dma_wait3A_282 : memref<8x2048xf32, #tpu.memory_space<hbm>>) dst(%arg9 : memref<8x2048xf32, #tpu.memory_space<vmem>>)
    %dma_start3A_283 = arith.constant 0 : i32
    %dma_start3A_284 = tpu.memref_slice %arg4[%multiple_of3A_278, %dma_start3A_283] : memref<4096x2048xf32, #tpu.memory_space<hbm>> -> memref<8x2048xf32, #tpu.memory_space<hbm>>
    %dma_start3A_285 = arith.constant 0 : i32
    %dma_start3A_286 = tpu.memref_slice %arg4[%multiple_of3A_278, %dma_start3A_285] : memref<4096x2048xf32, #tpu.memory_space<hbm>> -> memref<8x2048xf32, #tpu.memory_space<hbm>>
    tpu.enqueue_dma source(%arg9 : memref<8x2048xf32, #tpu.memory_space<vmem>>) target(%dma_start3A_286 : memref<8x2048xf32, #tpu.memory_space<hbm>>) target_semaphore(%arg21 : memref<!tpu.dma_semaphore, #tpu.memory_space<semaphore_mem>>)
    %add3A_287 = arith.addi %squeeze3A, %mul3A_2 : i32
    %add3A_288 = arith.constant 56 : i32
    %add3A_289 = arith.addi %add3A_287, %add3A_288 : i32
    %jit3A_290 = arith.constant 8 : i32
    %div3A_291 = arith.divsi %add3A_289, %jit3A_290 : i32
    %sign3A_292 = arith.constant 0 : i32
    %sign3A_293 = arith.cmpi sgt, %add3A_289, %sign3A_292 : i32
    %sign3A_294 = arith.extui %sign3A_293 : i1 to i32
    %sign3A_295 = arith.constant 0 : i32
    %sign3A_296 = arith.cmpi slt, %add3A_289, %sign3A_295 : i32
    %sign3A_297 = arith.extui %sign3A_296 : i1 to i32
    %sign3A_298 = arith.subi %sign3A_294, %sign3A_297 : i32
    %sign3A_299 = arith.constant 0 : i32
    %sign3A_300 = arith.cmpi sgt, %jit3A_290, %sign3A_299 : i32
    %sign3A_301 = arith.extui %sign3A_300 : i1 to i32
    %sign3A_302 = arith.constant 0 : i32
    %sign3A_303 = arith.cmpi slt, %jit3A_290, %sign3A_302 : i32
    %sign3A_304 = arith.extui %sign3A_303 : i1 to i32
    %sign3A_305 = arith.subi %sign3A_301, %sign3A_304 : i32
    %ne3A_306 = arith.cmpi ne, %sign3A_298, %sign3A_305 : i32
    %rem3A_307 = arith.remsi %add3A_289, %jit3A_290 : i32
    %ne3A_308 = arith.constant 0 : i32
    %ne3A_309 = arith.cmpi ne, %rem3A_307, %ne3A_308 : i32
    %and3A_310 = arith.andi %ne3A_306, %ne3A_309 : i1
    %sub3A_311 = arith.constant 1 : i32
    %sub3A_312 = arith.subi %div3A_291, %sub3A_311 : i32
    %select_n3A_313 = arith.select %and3A_310, %sub3A_312, %div3A_291 : i32
    %mul3A_314 = arith.constant 8 : i32
    %mul3A_315 = arith.muli %select_n3A_313, %mul3A_314 : i32
    %multiple_of3A_316 = tpu.assume_multiple %mul3A_315, 8 : i32
    %dma_wait3A_317 = arith.constant 0 : i32
    %dma_wait3A_318 = tpu.memref_slice %arg4[%multiple_of3A_184, %dma_wait3A_317] : memref<4096x2048xf32, #tpu.memory_space<hbm>> -> memref<8x2048xf32, #tpu.memory_space<hbm>>
    %dma_wait3A_319 = arith.constant 0 : i32
    %dma_wait3A_320 = tpu.memref_slice %arg4[%multiple_of3A_184, %dma_wait3A_319] : memref<4096x2048xf32, #tpu.memory_space<hbm>> -> memref<8x2048xf32, #tpu.memory_space<hbm>>
    tpu.wait_dma2 semaphore(%arg19 : memref<!tpu.dma_semaphore, #tpu.memory_space<semaphore_mem>>) src(%arg7 : memref<8x2048xf32, #tpu.memory_space<vmem>>) dst(%dma_wait3A_320 : memref<8x2048xf32, #tpu.memory_space<hbm>>)
    %dma_start3A_321 = arith.constant 0 : i32
    %dma_start3A_322 = tpu.memref_slice %arg2[%multiple_of3A_316, %dma_start3A_321] : memref<8192x2048xf32, #tpu.memory_space<hbm>> -> memref<8x2048xf32, #tpu.memory_space<hbm>>
    %dma_start3A_323 = arith.constant 0 : i32
    %dma_start3A_324 = tpu.memref_slice %arg2[%multiple_of3A_316, %dma_start3A_323] : memref<8192x2048xf32, #tpu.memory_space<hbm>> -> memref<8x2048xf32, #tpu.memory_space<hbm>>
    tpu.enqueue_dma source(%dma_start3A_324 : memref<8x2048xf32, #tpu.memory_space<hbm>>) target(%arg7 : memref<8x2048xf32, #tpu.memory_space<vmem>>) target_semaphore(%arg13 : memref<!tpu.dma_semaphore, #tpu.memory_space<semaphore_mem>>)
    %add3A_325 = arith.constant 32 : i32
    %add3A_326 = arith.addi %mul3A_2, %add3A_325 : i32
    %multiple_of3A_327 = tpu.assume_multiple %add3A_326, 8 : i32
    %dma_wait3A_328 = arith.constant 0 : i32
    %dma_wait3A_329 = tpu.memref_slice %arg2[%multiple_of3A_177, %dma_wait3A_328] : memref<8192x2048xf32, #tpu.memory_space<hbm>> -> memref<8x2048xf32, #tpu.memory_space<hbm>>
    %dma_wait3A_330 = arith.constant 0 : i32
    %dma_wait3A_331 = tpu.memref_slice %arg2[%multiple_of3A_177, %dma_wait3A_330] : memref<8192x2048xf32, #tpu.memory_space<hbm>> -> memref<8x2048xf32, #tpu.memory_space<hbm>>
    tpu.wait_dma2 semaphore(%arg16 : memref<!tpu.dma_semaphore, #tpu.memory_space<semaphore_mem>>) src(%dma_wait3A_331 : memref<8x2048xf32, #tpu.memory_space<hbm>>) dst(%arg10 : memref<8x2048xf32, #tpu.memory_space<vmem>>)
    %dma_start3A_332 = arith.constant 0 : i32
    %dma_start3A_333 = tpu.memref_slice %arg4[%multiple_of3A_327, %dma_start3A_332] : memref<4096x2048xf32, #tpu.memory_space<hbm>> -> memref<8x2048xf32, #tpu.memory_space<hbm>>
    %dma_start3A_334 = arith.constant 0 : i32
    %dma_start3A_335 = tpu.memref_slice %arg4[%multiple_of3A_327, %dma_start3A_334] : memref<4096x2048xf32, #tpu.memory_space<hbm>> -> memref<8x2048xf32, #tpu.memory_space<hbm>>
    tpu.enqueue_dma source(%arg10 : memref<8x2048xf32, #tpu.memory_space<vmem>>) target(%dma_start3A_335 : memref<8x2048xf32, #tpu.memory_space<hbm>>) target_semaphore(%arg22 : memref<!tpu.dma_semaphore, #tpu.memory_space<semaphore_mem>>)
    %add3A_336 = arith.addi %squeeze3A, %mul3A_2 : i32
    %add3A_337 = arith.constant 64 : i32
    %add3A_338 = arith.addi %add3A_336, %add3A_337 : i32
    %jit3A_339 = arith.constant 8 : i32
    %div3A_340 = arith.divsi %add3A_338, %jit3A_339 : i32
    %sign3A_341 = arith.constant 0 : i32
    %sign3A_342 = arith.cmpi sgt, %add3A_338, %sign3A_341 : i32
    %sign3A_343 = arith.extui %sign3A_342 : i1 to i32
    %sign3A_344 = arith.constant 0 : i32
    %sign3A_345 = arith.cmpi slt, %add3A_338, %sign3A_344 : i32
    %sign3A_346 = arith.extui %sign3A_345 : i1 to i32
    %sign3A_347 = arith.subi %sign3A_343, %sign3A_346 : i32
    %sign3A_348 = arith.constant 0 : i32
    %sign3A_349 = arith.cmpi sgt, %jit3A_339, %sign3A_348 : i32
    %sign3A_350 = arith.extui %sign3A_349 : i1 to i32
    %sign3A_351 = arith.constant 0 : i32
    %sign3A_352 = arith.cmpi slt, %jit3A_339, %sign3A_351 : i32
    %sign3A_353 = arith.extui %sign3A_352 : i1 to i32
    %sign3A_354 = arith.subi %sign3A_350, %sign3A_353 : i32
    %ne3A_355 = arith.cmpi ne, %sign3A_347, %sign3A_354 : i32
    %rem3A_356 = arith.remsi %add3A_338, %jit3A_339 : i32
    %ne3A_357 = arith.constant 0 : i32
    %ne3A_358 = arith.cmpi ne, %rem3A_356, %ne3A_357 : i32
    %and3A_359 = arith.andi %ne3A_355, %ne3A_358 : i1
    %sub3A_360 = arith.constant 1 : i32
    %sub3A_361 = arith.subi %div3A_340, %sub3A_360 : i32
    %select_n3A_362 = arith.select %and3A_359, %sub3A_361, %div3A_340 : i32
    %mul3A_363 = arith.constant 8 : i32
    %mul3A_364 = arith.muli %select_n3A_362, %mul3A_363 : i32
    %multiple_of3A_365 = tpu.assume_multiple %mul3A_364, 8 : i32
    %dma_wait3A_366 = arith.constant 0 : i32
    %dma_wait3A_367 = tpu.memref_slice %arg4[%multiple_of3A_229, %dma_wait3A_366] : memref<4096x2048xf32, #tpu.memory_space<hbm>> -> memref<8x2048xf32, #tpu.memory_space<hbm>>
    %dma_wait3A_368 = arith.constant 0 : i32
    %dma_wait3A_369 = tpu.memref_slice %arg4[%multiple_of3A_229, %dma_wait3A_368] : memref<4096x2048xf32, #tpu.memory_space<hbm>> -> memref<8x2048xf32, #tpu.memory_space<hbm>>
    tpu.wait_dma2 semaphore(%arg20 : memref<!tpu.dma_semaphore, #tpu.memory_space<semaphore_mem>>) src(%arg8 : memref<8x2048xf32, #tpu.memory_space<vmem>>) dst(%dma_wait3A_369 : memref<8x2048xf32, #tpu.memory_space<hbm>>)
    %dma_start3A_370 = arith.constant 0 : i32
    %dma_start3A_371 = tpu.memref_slice %arg2[%multiple_of3A_365, %dma_start3A_370] : memref<8192x2048xf32, #tpu.memory_space<hbm>> -> memref<8x2048xf32, #tpu.memory_space<hbm>>
    %dma_start3A_372 = arith.constant 0 : i32
    %dma_start3A_373 = tpu.memref_slice %arg2[%multiple_of3A_365, %dma_start3A_372] : memref<8192x2048xf32, #tpu.memory_space<hbm>> -> memref<8x2048xf32, #tpu.memory_space<hbm>>
    tpu.enqueue_dma source(%dma_start3A_373 : memref<8x2048xf32, #tpu.memory_space<hbm>>) target(%arg8 : memref<8x2048xf32, #tpu.memory_space<vmem>>) target_semaphore(%arg14 : memref<!tpu.dma_semaphore, #tpu.memory_space<semaphore_mem>>)
    %add3A_374 = arith.constant 40 : i32
    %add3A_375 = arith.addi %mul3A_2, %add3A_374 : i32
    %multiple_of3A_376 = tpu.assume_multiple %add3A_375, 8 : i32
    %dma_wait3A_377 = arith.constant 0 : i32
    %dma_wait3A_378 = tpu.memref_slice %arg2[%multiple_of3A_222, %dma_wait3A_377] : memref<8192x2048xf32, #tpu.memory_space<hbm>> -> memref<8x2048xf32, #tpu.memory_space<hbm>>
    %dma_wait3A_379 = arith.constant 0 : i32
    %dma_wait3A_380 = tpu.memref_slice %arg2[%multiple_of3A_222, %dma_wait3A_379] : memref<8192x2048xf32, #tpu.memory_space<hbm>> -> memref<8x2048xf32, #tpu.memory_space<hbm>>
    tpu.wait_dma2 semaphore(%arg17 : memref<!tpu.dma_semaphore, #tpu.memory_space<semaphore_mem>>) src(%dma_wait3A_380 : memref<8x2048xf32, #tpu.memory_space<hbm>>) dst(%arg11 : memref<8x2048xf32, #tpu.memory_space<vmem>>)
    %dma_start3A_381 = arith.constant 0 : i32
    %dma_start3A_382 = tpu.memref_slice %arg4[%multiple_of3A_376, %dma_start3A_381] : memref<4096x2048xf32, #tpu.memory_space<hbm>> -> memref<8x2048xf32, #tpu.memory_space<hbm>>
    %dma_start3A_383 = arith.constant 0 : i32
    %dma_start3A_384 = tpu.memref_slice %arg4[%multiple_of3A_376, %dma_start3A_383] : memref<4096x2048xf32, #tpu.memory_space<hbm>> -> memref<8x2048xf32, #tpu.memory_space<hbm>>
    tpu.enqueue_dma source(%arg11 : memref<8x2048xf32, #tpu.memory_space<vmem>>) target(%dma_start3A_384 : memref<8x2048xf32, #tpu.memory_space<hbm>>) target_semaphore(%arg23 : memref<!tpu.dma_semaphore, #tpu.memory_space<semaphore_mem>>)
    %add3A_385 = arith.addi %squeeze3A, %mul3A_2 : i32
    %add3A_386 = arith.constant 72 : i32
    %add3A_387 = arith.addi %add3A_385, %add3A_386 : i32
    %jit3A_388 = arith.constant 8 : i32
    %div3A_389 = arith.divsi %add3A_387, %jit3A_388 : i32
    %sign3A_390 = arith.constant 0 : i32
    %sign3A_391 = arith.cmpi sgt, %add3A_387, %sign3A_390 : i32
    %sign3A_392 = arith.extui %sign3A_391 : i1 to i32
    %sign3A_393 = arith.constant 0 : i32
    %sign3A_394 = arith.cmpi slt, %add3A_387, %sign3A_393 : i32
    %sign3A_395 = arith.extui %sign3A_394 : i1 to i32
    %sign3A_396 = arith.subi %sign3A_392, %sign3A_395 : i32
    %sign3A_397 = arith.constant 0 : i32
    %sign3A_398 = arith.cmpi sgt, %jit3A_388, %sign3A_397 : i32
    %sign3A_399 = arith.extui %sign3A_398 : i1 to i32
    %sign3A_400 = arith.constant 0 : i32
    %sign3A_401 = arith.cmpi slt, %jit3A_388, %sign3A_400 : i32
    %sign3A_402 = arith.extui %sign3A_401 : i1 to i32
    %sign3A_403 = arith.subi %sign3A_399, %sign3A_402 : i32
    %ne3A_404 = arith.cmpi ne, %sign3A_396, %sign3A_403 : i32
    %rem3A_405 = arith.remsi %add3A_387, %jit3A_388 : i32
    %ne3A_406 = arith.constant 0 : i32
    %ne3A_407 = arith.cmpi ne, %rem3A_405, %ne3A_406 : i32
    %and3A_408 = arith.andi %ne3A_404, %ne3A_407 : i1
    %sub3A_409 = arith.constant 1 : i32
    %sub3A_410 = arith.subi %div3A_389, %sub3A_409 : i32
    %select_n3A_411 = arith.select %and3A_408, %sub3A_410, %div3A_389 : i32
    %mul3A_412 = arith.constant 8 : i32
    %mul3A_413 = arith.muli %select_n3A_411, %mul3A_412 : i32
    %multiple_of3A_414 = tpu.assume_multiple %mul3A_413, 8 : i32
    %dma_wait3A_415 = arith.constant 0 : i32
    %dma_wait3A_416 = tpu.memref_slice %arg4[%multiple_of3A_278, %dma_wait3A_415] : memref<4096x2048xf32, #tpu.memory_space<hbm>> -> memref<8x2048xf32, #tpu.memory_space<hbm>>
    %dma_wait3A_417 = arith.constant 0 : i32
    %dma_wait3A_418 = tpu.memref_slice %arg4[%multiple_of3A_278, %dma_wait3A_417] : memref<4096x2048xf32, #tpu.memory_space<hbm>> -> memref<8x2048xf32, #tpu.memory_space<hbm>>
    tpu.wait_dma2 semaphore(%arg21 : memref<!tpu.dma_semaphore, #tpu.memory_space<semaphore_mem>>) src(%arg9 : memref<8x2048xf32, #tpu.memory_space<vmem>>) dst(%dma_wait3A_418 : memref<8x2048xf32, #tpu.memory_space<hbm>>)
    %dma_start3A_419 = arith.constant 0 : i32
    %dma_start3A_420 = tpu.memref_slice %arg2[%multiple_of3A_414, %dma_start3A_419] : memref<8192x2048xf32, #tpu.memory_space<hbm>> -> memref<8x2048xf32, #tpu.memory_space<hbm>>
    %dma_start3A_421 = arith.constant 0 : i32
    %dma_start3A_422 = tpu.memref_slice %arg2[%multiple_of3A_414, %dma_start3A_421] : memref<8192x2048xf32, #tpu.memory_space<hbm>> -> memref<8x2048xf32, #tpu.memory_space<hbm>>
    tpu.enqueue_dma source(%dma_start3A_422 : memref<8x2048xf32, #tpu.memory_space<hbm>>) target(%arg9 : memref<8x2048xf32, #tpu.memory_space<vmem>>) target_semaphore(%arg15 : memref<!tpu.dma_semaphore, #tpu.memory_space<semaphore_mem>>)
    %add3A_423 = arith.constant 48 : i32
    %add3A_424 = arith.addi %mul3A_2, %add3A_423 : i32
    %multiple_of3A_425 = tpu.assume_multiple %add3A_424, 8 : i32
    %dma_wait3A_426 = arith.constant 0 : i32
    %dma_wait3A_427 = tpu.memref_slice %arg2[%multiple_of3A_267, %dma_wait3A_426] : memref<8192x2048xf32, #tpu.memory_space<hbm>> -> memref<8x2048xf32, #tpu.memory_space<hbm>>
    %dma_wait3A_428 = arith.constant 0 : i32
    %dma_wait3A_429 = tpu.memref_slice %arg2[%multiple_of3A_267, %dma_wait3A_428] : memref<8192x2048xf32, #tpu.memory_space<hbm>> -> memref<8x2048xf32, #tpu.memory_space<hbm>>
    tpu.wait_dma2 semaphore(%arg12 : memref<!tpu.dma_semaphore, #tpu.memory_space<semaphore_mem>>) src(%dma_wait3A_429 : memref<8x2048xf32, #tpu.memory_space<hbm>>) dst(%arg6 : memref<8x2048xf32, #tpu.memory_space<vmem>>)
    %dma_start3A_430 = arith.constant 0 : i32
    %dma_start3A_431 = tpu.memref_slice %arg4[%multiple_of3A_425, %dma_start3A_430] : memref<4096x2048xf32, #tpu.memory_space<hbm>> -> memref<8x2048xf32, #tpu.memory_space<hbm>>
    %dma_start3A_432 = arith.constant 0 : i32
    %dma_start3A_433 = tpu.memref_slice %arg4[%multiple_of3A_425, %dma_start3A_432] : memref<4096x2048xf32, #tpu.memory_space<hbm>> -> memref<8x2048xf32, #tpu.memory_space<hbm>>
    tpu.enqueue_dma source(%arg6 : memref<8x2048xf32, #tpu.memory_space<vmem>>) target(%dma_start3A_433 : memref<8x2048xf32, #tpu.memory_space<hbm>>) target_semaphore(%arg18 : memref<!tpu.dma_semaphore, #tpu.memory_space<semaphore_mem>>)
    %add3A_434 = arith.addi %squeeze3A, %mul3A_2 : i32
    %add3A_435 = arith.constant 80 : i32
    %add3A_436 = arith.addi %add3A_434, %add3A_435 : i32
    %jit3A_437 = arith.constant 8 : i32
    %div3A_438 = arith.divsi %add3A_436, %jit3A_437 : i32
    %sign3A_439 = arith.constant 0 : i32
    %sign3A_440 = arith.cmpi sgt, %add3A_436, %sign3A_439 : i32
    %sign3A_441 = arith.extui %sign3A_440 : i1 to i32
    %sign3A_442 = arith.constant 0 : i32
    %sign3A_443 = arith.cmpi slt, %add3A_436, %sign3A_442 : i32
    %sign3A_444 = arith.extui %sign3A_443 : i1 to i32
    %sign3A_445 = arith.subi %sign3A_441, %sign3A_444 : i32
    %sign3A_446 = arith.constant 0 : i32
    %sign3A_447 = arith.cmpi sgt, %jit3A_437, %sign3A_446 : i32
    %sign3A_448 = arith.extui %sign3A_447 : i1 to i32
    %sign3A_449 = arith.constant 0 : i32
    %sign3A_450 = arith.cmpi slt, %jit3A_437, %sign3A_449 : i32
    %sign3A_451 = arith.extui %sign3A_450 : i1 to i32
    %sign3A_452 = arith.subi %sign3A_448, %sign3A_451 : i32
    %ne3A_453 = arith.cmpi ne, %sign3A_445, %sign3A_452 : i32
    %rem3A_454 = arith.remsi %add3A_436, %jit3A_437 : i32
    %ne3A_455 = arith.constant 0 : i32
    %ne3A_456 = arith.cmpi ne, %rem3A_454, %ne3A_455 : i32
    %and3A_457 = arith.andi %ne3A_453, %ne3A_456 : i1
    %sub3A_458 = arith.constant 1 : i32
    %sub3A_459 = arith.subi %div3A_438, %sub3A_458 : i32
    %select_n3A_460 = arith.select %and3A_457, %sub3A_459, %div3A_438 : i32
    %mul3A_461 = arith.constant 8 : i32
    %mul3A_462 = arith.muli %select_n3A_460, %mul3A_461 : i32
    %multiple_of3A_463 = tpu.assume_multiple %mul3A_462, 8 : i32
    %dma_wait3A_464 = arith.constant 0 : i32
    %dma_wait3A_465 = tpu.memref_slice %arg4[%multiple_of3A_327, %dma_wait3A_464] : memref<4096x2048xf32, #tpu.memory_space<hbm>> -> memref<8x2048xf32, #tpu.memory_space<hbm>>
    %dma_wait3A_466 = arith.constant 0 : i32
    %dma_wait3A_467 = tpu.memref_slice %arg4[%multiple_of3A_327, %dma_wait3A_466] : memref<4096x2048xf32, #tpu.memory_space<hbm>> -> memref<8x2048xf32, #tpu.memory_space<hbm>>
    tpu.wait_dma2 semaphore(%arg22 : memref<!tpu.dma_semaphore, #tpu.memory_space<semaphore_mem>>) src(%arg10 : memref<8x2048xf32, #tpu.memory_space<vmem>>) dst(%dma_wait3A_467 : memref<8x2048xf32, #tpu.memory_space<hbm>>)
    %dma_start3A_468 = arith.constant 0 : i32
    %dma_start3A_469 = tpu.memref_slice %arg2[%multiple_of3A_463, %dma_start3A_468] : memref<8192x2048xf32, #tpu.memory_space<hbm>> -> memref<8x2048xf32, #tpu.memory_space<hbm>>
    %dma_start3A_470 = arith.constant 0 : i32
    %dma_start3A_471 = tpu.memref_slice %arg2[%multiple_of3A_463, %dma_start3A_470] : memref<8192x2048xf32, #tpu.memory_space<hbm>> -> memref<8x2048xf32, #tpu.memory_space<hbm>>
    tpu.enqueue_dma source(%dma_start3A_471 : memref<8x2048xf32, #tpu.memory_space<hbm>>) target(%arg10 : memref<8x2048xf32, #tpu.memory_space<vmem>>) target_semaphore(%arg16 : memref<!tpu.dma_semaphore, #tpu.memory_space<semaphore_mem>>)
    %add3A_472 = arith.constant 56 : i32
    %add3A_473 = arith.addi %mul3A_2, %add3A_472 : i32
    %multiple_of3A_474 = tpu.assume_multiple %add3A_473, 8 : i32
    %dma_wait3A_475 = arith.constant 0 : i32
    %dma_wait3A_476 = tpu.memref_slice %arg2[%multiple_of3A_316, %dma_wait3A_475] : memref<8192x2048xf32, #tpu.memory_space<hbm>> -> memref<8x2048xf32, #tpu.memory_space<hbm>>
    %dma_wait3A_477 = arith.constant 0 : i32
    %dma_wait3A_478 = tpu.memref_slice %arg2[%multiple_of3A_316, %dma_wait3A_477] : memref<8192x2048xf32, #tpu.memory_space<hbm>> -> memref<8x2048xf32, #tpu.memory_space<hbm>>
    tpu.wait_dma2 semaphore(%arg13 : memref<!tpu.dma_semaphore, #tpu.memory_space<semaphore_mem>>) src(%dma_wait3A_478 : memref<8x2048xf32, #tpu.memory_space<hbm>>) dst(%arg7 : memref<8x2048xf32, #tpu.memory_space<vmem>>)
    %dma_start3A_479 = arith.constant 0 : i32
    %dma_start3A_480 = tpu.memref_slice %arg4[%multiple_of3A_474, %dma_start3A_479] : memref<4096x2048xf32, #tpu.memory_space<hbm>> -> memref<8x2048xf32, #tpu.memory_space<hbm>>
    %dma_start3A_481 = arith.constant 0 : i32
    %dma_start3A_482 = tpu.memref_slice %arg4[%multiple_of3A_474, %dma_start3A_481] : memref<4096x2048xf32, #tpu.memory_space<hbm>> -> memref<8x2048xf32, #tpu.memory_space<hbm>>
    tpu.enqueue_dma source(%arg7 : memref<8x2048xf32, #tpu.memory_space<vmem>>) target(%dma_start3A_482 : memref<8x2048xf32, #tpu.memory_space<hbm>>) target_semaphore(%arg19 : memref<!tpu.dma_semaphore, #tpu.memory_space<semaphore_mem>>)
    %add3A_483 = arith.addi %squeeze3A, %mul3A_2 : i32
    %add3A_484 = arith.constant 88 : i32
    %add3A_485 = arith.addi %add3A_483, %add3A_484 : i32
    %jit3A_486 = arith.constant 8 : i32
    %div3A_487 = arith.divsi %add3A_485, %jit3A_486 : i32
    %sign3A_488 = arith.constant 0 : i32
    %sign3A_489 = arith.cmpi sgt, %add3A_485, %sign3A_488 : i32
    %sign3A_490 = arith.extui %sign3A_489 : i1 to i32
    %sign3A_491 = arith.constant 0 : i32
    %sign3A_492 = arith.cmpi slt, %add3A_485, %sign3A_491 : i32
    %sign3A_493 = arith.extui %sign3A_492 : i1 to i32
    %sign3A_494 = arith.subi %sign3A_490, %sign3A_493 : i32
    %sign3A_495 = arith.constant 0 : i32
    %sign3A_496 = arith.cmpi sgt, %jit3A_486, %sign3A_495 : i32
    %sign3A_497 = arith.extui %sign3A_496 : i1 to i32
    %sign3A_498 = arith.constant 0 : i32
    %sign3A_499 = arith.cmpi slt, %jit3A_486, %sign3A_498 : i32
    %sign3A_500 = arith.extui %sign3A_499 : i1 to i32
    %sign3A_501 = arith.subi %sign3A_497, %sign3A_500 : i32
    %ne3A_502 = arith.cmpi ne, %sign3A_494, %sign3A_501 : i32
    %rem3A_503 = arith.remsi %add3A_485, %jit3A_486 : i32
    %ne3A_504 = arith.constant 0 : i32
    %ne3A_505 = arith.cmpi ne, %rem3A_503, %ne3A_504 : i32
    %and3A_506 = arith.andi %ne3A_502, %ne3A_505 : i1
    %sub3A_507 = arith.constant 1 : i32
    %sub3A_508 = arith.subi %div3A_487, %sub3A_507 : i32
    %select_n3A_509 = arith.select %and3A_506, %sub3A_508, %div3A_487 : i32
    %mul3A_510 = arith.constant 8 : i32
    %mul3A_511 = arith.muli %select_n3A_509, %mul3A_510 : i32
    %multiple_of3A_512 = tpu.assume_multiple %mul3A_511, 8 : i32
    %dma_wait3A_513 = arith.constant 0 : i32
    %dma_wait3A_514 = tpu.memref_slice %arg4[%multiple_of3A_376, %dma_wait3A_513] : memref<4096x2048xf32, #tpu.memory_space<hbm>> -> memref<8x2048xf32, #tpu.memory_space<hbm>>
    %dma_wait3A_515 = arith.constant 0 : i32
    %dma_wait3A_516 = tpu.memref_slice %arg4[%multiple_of3A_376, %dma_wait3A_515] : memref<4096x2048xf32, #tpu.memory_space<hbm>> -> memref<8x2048xf32, #tpu.memory_space<hbm>>
    tpu.wait_dma2 semaphore(%arg23 : memref<!tpu.dma_semaphore, #tpu.memory_space<semaphore_mem>>) src(%arg11 : memref<8x2048xf32, #tpu.memory_space<vmem>>) dst(%dma_wait3A_516 : memref<8x2048xf32, #tpu.memory_space<hbm>>)
    %dma_start3A_517 = arith.constant 0 : i32
    %dma_start3A_518 = tpu.memref_slice %arg2[%multiple_of3A_512, %dma_start3A_517] : memref<8192x2048xf32, #tpu.memory_space<hbm>> -> memref<8x2048xf32, #tpu.memory_space<hbm>>
    %dma_start3A_519 = arith.constant 0 : i32
    %dma_start3A_520 = tpu.memref_slice %arg2[%multiple_of3A_512, %dma_start3A_519] : memref<8192x2048xf32, #tpu.memory_space<hbm>> -> memref<8x2048xf32, #tpu.memory_space<hbm>>
    tpu.enqueue_dma source(%dma_start3A_520 : memref<8x2048xf32, #tpu.memory_space<hbm>>) target(%arg11 : memref<8x2048xf32, #tpu.memory_space<vmem>>) target_semaphore(%arg17 : memref<!tpu.dma_semaphore, #tpu.memory_space<semaphore_mem>>)
    %add3A_521 = arith.constant 64 : i32
    %add3A_522 = arith.addi %mul3A_2, %add3A_521 : i32
    %multiple_of3A_523 = tpu.assume_multiple %add3A_522, 8 : i32
    %dma_wait3A_524 = arith.constant 0 : i32
    %dma_wait3A_525 = tpu.memref_slice %arg2[%multiple_of3A_365, %dma_wait3A_524] : memref<8192x2048xf32, #tpu.memory_space<hbm>> -> memref<8x2048xf32, #tpu.memory_space<hbm>>
    %dma_wait3A_526 = arith.constant 0 : i32
    %dma_wait3A_527 = tpu.memref_slice %arg2[%multiple_of3A_365, %dma_wait3A_526] : memref<8192x2048xf32, #tpu.memory_space<hbm>> -> memref<8x2048xf32, #tpu.memory_space<hbm>>
    tpu.wait_dma2 semaphore(%arg14 : memref<!tpu.dma_semaphore, #tpu.memory_space<semaphore_mem>>) src(%dma_wait3A_527 : memref<8x2048xf32, #tpu.memory_space<hbm>>) dst(%arg8 : memref<8x2048xf32, #tpu.memory_space<vmem>>)
    %dma_start3A_528 = arith.constant 0 : i32
    %dma_start3A_529 = tpu.memref_slice %arg4[%multiple_of3A_523, %dma_start3A_528] : memref<4096x2048xf32, #tpu.memory_space<hbm>> -> memref<8x2048xf32, #tpu.memory_space<hbm>>
    %dma_start3A_530 = arith.constant 0 : i32
    %dma_start3A_531 = tpu.memref_slice %arg4[%multiple_of3A_523, %dma_start3A_530] : memref<4096x2048xf32, #tpu.memory_space<hbm>> -> memref<8x2048xf32, #tpu.memory_space<hbm>>
    tpu.enqueue_dma source(%arg8 : memref<8x2048xf32, #tpu.memory_space<vmem>>) target(%dma_start3A_531 : memref<8x2048xf32, #tpu.memory_space<hbm>>) target_semaphore(%arg20 : memref<!tpu.dma_semaphore, #tpu.memory_space<semaphore_mem>>)
    %add3A_532 = arith.addi %squeeze3A, %mul3A_2 : i32
    %add3A_533 = arith.constant 96 : i32
    %add3A_534 = arith.addi %add3A_532, %add3A_533 : i32
    %jit3A_535 = arith.constant 8 : i32
    %div3A_536 = arith.divsi %add3A_534, %jit3A_535 : i32
    %sign3A_537 = arith.constant 0 : i32
    %sign3A_538 = arith.cmpi sgt, %add3A_534, %sign3A_537 : i32
    %sign3A_539 = arith.extui %sign3A_538 : i1 to i32
    %sign3A_540 = arith.constant 0 : i32
    %sign3A_541 = arith.cmpi slt, %add3A_534, %sign3A_540 : i32
    %sign3A_542 = arith.extui %sign3A_541 : i1 to i32
    %sign3A_543 = arith.subi %sign3A_539, %sign3A_542 : i32
    %sign3A_544 = arith.constant 0 : i32
    %sign3A_545 = arith.cmpi sgt, %jit3A_535, %sign3A_544 : i32
    %sign3A_546 = arith.extui %sign3A_545 : i1 to i32
    %sign3A_547 = arith.constant 0 : i32
    %sign3A_548 = arith.cmpi slt, %jit3A_535, %sign3A_547 : i32
    %sign3A_549 = arith.extui %sign3A_548 : i1 to i32
    %sign3A_550 = arith.subi %sign3A_546, %sign3A_549 : i32
    %ne3A_551 = arith.cmpi ne, %sign3A_543, %sign3A_550 : i32
    %rem3A_552 = arith.remsi %add3A_534, %jit3A_535 : i32
    %ne3A_553 = arith.constant 0 : i32
    %ne3A_554 = arith.cmpi ne, %rem3A_552, %ne3A_553 : i32
    %and3A_555 = arith.andi %ne3A_551, %ne3A_554 : i1
    %sub3A_556 = arith.constant 1 : i32
    %sub3A_557 = arith.subi %div3A_536, %sub3A_556 : i32
    %select_n3A_558 = arith.select %and3A_555, %sub3A_557, %div3A_536 : i32
    %mul3A_559 = arith.constant 8 : i32
    %mul3A_560 = arith.muli %select_n3A_558, %mul3A_559 : i32
    %multiple_of3A_561 = tpu.assume_multiple %mul3A_560, 8 : i32
    %dma_wait3A_562 = arith.constant 0 : i32
    %dma_wait3A_563 = tpu.memref_slice %arg4[%multiple_of3A_425, %dma_wait3A_562] : memref<4096x2048xf32, #tpu.memory_space<hbm>> -> memref<8x2048xf32, #tpu.memory_space<hbm>>
    %dma_wait3A_564 = arith.constant 0 : i32
    %dma_wait3A_565 = tpu.memref_slice %arg4[%multiple_of3A_425, %dma_wait3A_564] : memref<4096x2048xf32, #tpu.memory_space<hbm>> -> memref<8x2048xf32, #tpu.memory_space<hbm>>
    tpu.wait_dma2 semaphore(%arg18 : memref<!tpu.dma_semaphore, #tpu.memory_space<semaphore_mem>>) src(%arg6 : memref<8x2048xf32, #tpu.memory_space<vmem>>) dst(%dma_wait3A_565 : memref<8x2048xf32, #tpu.memory_space<hbm>>)
    %dma_start3A_566 = arith.constant 0 : i32
    %dma_start3A_567 = tpu.memref_slice %arg2[%multiple_of3A_561, %dma_start3A_566] : memref<8192x2048xf32, #tpu.memory_space<hbm>> -> memref<8x2048xf32, #tpu.memory_space<hbm>>
    %dma_start3A_568 = arith.constant 0 : i32
    %dma_start3A_569 = tpu.memref_slice %arg2[%multiple_of3A_561, %dma_start3A_568] : memref<8192x2048xf32, #tpu.memory_space<hbm>> -> memref<8x2048xf32, #tpu.memory_space<hbm>>
    tpu.enqueue_dma source(%dma_start3A_569 : memref<8x2048xf32, #tpu.memory_space<hbm>>) target(%arg6 : memref<8x2048xf32, #tpu.memory_space<vmem>>) target_semaphore(%arg12 : memref<!tpu.dma_semaphore, #tpu.memory_space<semaphore_mem>>)
    %add3A_570 = arith.constant 72 : i32
    %add3A_571 = arith.addi %mul3A_2, %add3A_570 : i32
    %multiple_of3A_572 = tpu.assume_multiple %add3A_571, 8 : i32
    %dma_wait3A_573 = arith.constant 0 : i32
    %dma_wait3A_574 = tpu.memref_slice %arg2[%multiple_of3A_414, %dma_wait3A_573] : memref<8192x2048xf32, #tpu.memory_space<hbm>> -> memref<8x2048xf32, #tpu.memory_space<hbm>>
    %dma_wait3A_575 = arith.constant 0 : i32
    %dma_wait3A_576 = tpu.memref_slice %arg2[%multiple_of3A_414, %dma_wait3A_575] : memref<8192x2048xf32, #tpu.memory_space<hbm>> -> memref<8x2048xf32, #tpu.memory_space<hbm>>
    tpu.wait_dma2 semaphore(%arg15 : memref<!tpu.dma_semaphore, #tpu.memory_space<semaphore_mem>>) src(%dma_wait3A_576 : memref<8x2048xf32, #tpu.memory_space<hbm>>) dst(%arg9 : memref<8x2048xf32, #tpu.memory_space<vmem>>)
    %dma_start3A_577 = arith.constant 0 : i32
    %dma_start3A_578 = tpu.memref_slice %arg4[%multiple_of3A_572, %dma_start3A_577] : memref<4096x2048xf32, #tpu.memory_space<hbm>> -> memref<8x2048xf32, #tpu.memory_space<hbm>>
    %dma_start3A_579 = arith.constant 0 : i32
    %dma_start3A_580 = tpu.memref_slice %arg4[%multiple_of3A_572, %dma_start3A_579] : memref<4096x2048xf32, #tpu.memory_space<hbm>> -> memref<8x2048xf32, #tpu.memory_space<hbm>>
    tpu.enqueue_dma source(%arg9 : memref<8x2048xf32, #tpu.memory_space<vmem>>) target(%dma_start3A_580 : memref<8x2048xf32, #tpu.memory_space<hbm>>) target_semaphore(%arg21 : memref<!tpu.dma_semaphore, #tpu.memory_space<semaphore_mem>>)
    %add3A_581 = arith.addi %squeeze3A, %mul3A_2 : i32
    %add3A_582 = arith.constant 104 : i32
    %add3A_583 = arith.addi %add3A_581, %add3A_582 : i32
    %jit3A_584 = arith.constant 8 : i32
    %div3A_585 = arith.divsi %add3A_583, %jit3A_584 : i32
    %sign3A_586 = arith.constant 0 : i32
    %sign3A_587 = arith.cmpi sgt, %add3A_583, %sign3A_586 : i32
    %sign3A_588 = arith.extui %sign3A_587 : i1 to i32
    %sign3A_589 = arith.constant 0 : i32
    %sign3A_590 = arith.cmpi slt, %add3A_583, %sign3A_589 : i32
    %sign3A_591 = arith.extui %sign3A_590 : i1 to i32
    %sign3A_592 = arith.subi %sign3A_588, %sign3A_591 : i32
    %sign3A_593 = arith.constant 0 : i32
    %sign3A_594 = arith.cmpi sgt, %jit3A_584, %sign3A_593 : i32
    %sign3A_595 = arith.extui %sign3A_594 : i1 to i32
    %sign3A_596 = arith.constant 0 : i32
    %sign3A_597 = arith.cmpi slt, %jit3A_584, %sign3A_596 : i32
    %sign3A_598 = arith.extui %sign3A_597 : i1 to i32
    %sign3A_599 = arith.subi %sign3A_595, %sign3A_598 : i32
    %ne3A_600 = arith.cmpi ne, %sign3A_592, %sign3A_599 : i32
    %rem3A_601 = arith.remsi %add3A_583, %jit3A_584 : i32
    %ne3A_602 = arith.constant 0 : i32
    %ne3A_603 = arith.cmpi ne, %rem3A_601, %ne3A_602 : i32
    %and3A_604 = arith.andi %ne3A_600, %ne3A_603 : i1
    %sub3A_605 = arith.constant 1 : i32
    %sub3A_606 = arith.subi %div3A_585, %sub3A_605 : i32
    %select_n3A_607 = arith.select %and3A_604, %sub3A_606, %div3A_585 : i32
    %mul3A_608 = arith.constant 8 : i32
    %mul3A_609 = arith.muli %select_n3A_607, %mul3A_608 : i32
    %multiple_of3A_610 = tpu.assume_multiple %mul3A_609, 8 : i32
    %dma_wait3A_611 = arith.constant 0 : i32
    %dma_wait3A_612 = tpu.memref_slice %arg4[%multiple_of3A_474, %dma_wait3A_611] : memref<4096x2048xf32, #tpu.memory_space<hbm>> -> memref<8x2048xf32, #tpu.memory_space<hbm>>
    %dma_wait3A_613 = arith.constant 0 : i32
    %dma_wait3A_614 = tpu.memref_slice %arg4[%multiple_of3A_474, %dma_wait3A_613] : memref<4096x2048xf32, #tpu.memory_space<hbm>> -> memref<8x2048xf32, #tpu.memory_space<hbm>>
    tpu.wait_dma2 semaphore(%arg19 : memref<!tpu.dma_semaphore, #tpu.memory_space<semaphore_mem>>) src(%arg7 : memref<8x2048xf32, #tpu.memory_space<vmem>>) dst(%dma_wait3A_614 : memref<8x2048xf32, #tpu.memory_space<hbm>>)
    %dma_start3A_615 = arith.constant 0 : i32
    %dma_start3A_616 = tpu.memref_slice %arg2[%multiple_of3A_610, %dma_start3A_615] : memref<8192x2048xf32, #tpu.memory_space<hbm>> -> memref<8x2048xf32, #tpu.memory_space<hbm>>
    %dma_start3A_617 = arith.constant 0 : i32
    %dma_start3A_618 = tpu.memref_slice %arg2[%multiple_of3A_610, %dma_start3A_617] : memref<8192x2048xf32, #tpu.memory_space<hbm>> -> memref<8x2048xf32, #tpu.memory_space<hbm>>
    tpu.enqueue_dma source(%dma_start3A_618 : memref<8x2048xf32, #tpu.memory_space<hbm>>) target(%arg7 : memref<8x2048xf32, #tpu.memory_space<vmem>>) target_semaphore(%arg13 : memref<!tpu.dma_semaphore, #tpu.memory_space<semaphore_mem>>)
    %add3A_619 = arith.constant 80 : i32
    %add3A_620 = arith.addi %mul3A_2, %add3A_619 : i32
    %multiple_of3A_621 = tpu.assume_multiple %add3A_620, 8 : i32
    %dma_wait3A_622 = arith.constant 0 : i32
    %dma_wait3A_623 = tpu.memref_slice %arg2[%multiple_of3A_463, %dma_wait3A_622] : memref<8192x2048xf32, #tpu.memory_space<hbm>> -> memref<8x2048xf32, #tpu.memory_space<hbm>>
    %dma_wait3A_624 = arith.constant 0 : i32
    %dma_wait3A_625 = tpu.memref_slice %arg2[%multiple_of3A_463, %dma_wait3A_624] : memref<8192x2048xf32, #tpu.memory_space<hbm>> -> memref<8x2048xf32, #tpu.memory_space<hbm>>
    tpu.wait_dma2 semaphore(%arg16 : memref<!tpu.dma_semaphore, #tpu.memory_space<semaphore_mem>>) src(%dma_wait3A_625 : memref<8x2048xf32, #tpu.memory_space<hbm>>) dst(%arg10 : memref<8x2048xf32, #tpu.memory_space<vmem>>)
    %dma_start3A_626 = arith.constant 0 : i32
    %dma_start3A_627 = tpu.memref_slice %arg4[%multiple_of3A_621, %dma_start3A_626] : memref<4096x2048xf32, #tpu.memory_space<hbm>> -> memref<8x2048xf32, #tpu.memory_space<hbm>>
    %dma_start3A_628 = arith.constant 0 : i32
    %dma_start3A_629 = tpu.memref_slice %arg4[%multiple_of3A_621, %dma_start3A_628] : memref<4096x2048xf32, #tpu.memory_space<hbm>> -> memref<8x2048xf32, #tpu.memory_space<hbm>>
    tpu.enqueue_dma source(%arg10 : memref<8x2048xf32, #tpu.memory_space<vmem>>) target(%dma_start3A_629 : memref<8x2048xf32, #tpu.memory_space<hbm>>) target_semaphore(%arg22 : memref<!tpu.dma_semaphore, #tpu.memory_space<semaphore_mem>>)
    %add3A_630 = arith.addi %squeeze3A, %mul3A_2 : i32
    %add3A_631 = arith.constant 112 : i32
    %add3A_632 = arith.addi %add3A_630, %add3A_631 : i32
    %jit3A_633 = arith.constant 8 : i32
    %div3A_634 = arith.divsi %add3A_632, %jit3A_633 : i32
    %sign3A_635 = arith.constant 0 : i32
    %sign3A_636 = arith.cmpi sgt, %add3A_632, %sign3A_635 : i32
    %sign3A_637 = arith.extui %sign3A_636 : i1 to i32
    %sign3A_638 = arith.constant 0 : i32
    %sign3A_639 = arith.cmpi slt, %add3A_632, %sign3A_638 : i32
    %sign3A_640 = arith.extui %sign3A_639 : i1 to i32
    %sign3A_641 = arith.subi %sign3A_637, %sign3A_640 : i32
    %sign3A_642 = arith.constant 0 : i32
    %sign3A_643 = arith.cmpi sgt, %jit3A_633, %sign3A_642 : i32
    %sign3A_644 = arith.extui %sign3A_643 : i1 to i32
    %sign3A_645 = arith.constant 0 : i32
    %sign3A_646 = arith.cmpi slt, %jit3A_633, %sign3A_645 : i32
    %sign3A_647 = arith.extui %sign3A_646 : i1 to i32
    %sign3A_648 = arith.subi %sign3A_644, %sign3A_647 : i32
    %ne3A_649 = arith.cmpi ne, %sign3A_641, %sign3A_648 : i32
    %rem3A_650 = arith.remsi %add3A_632, %jit3A_633 : i32
    %ne3A_651 = arith.constant 0 : i32
    %ne3A_652 = arith.cmpi ne, %rem3A_650, %ne3A_651 : i32
    %and3A_653 = arith.andi %ne3A_649, %ne3A_652 : i1
    %sub3A_654 = arith.constant 1 : i32
    %sub3A_655 = arith.subi %div3A_634, %sub3A_654 : i32
    %select_n3A_656 = arith.select %and3A_653, %sub3A_655, %div3A_634 : i32
    %mul3A_657 = arith.constant 8 : i32
    %mul3A_658 = arith.muli %select_n3A_656, %mul3A_657 : i32
    %multiple_of3A_659 = tpu.assume_multiple %mul3A_658, 8 : i32
    %dma_wait3A_660 = arith.constant 0 : i32
    %dma_wait3A_661 = tpu.memref_slice %arg4[%multiple_of3A_523, %dma_wait3A_660] : memref<4096x2048xf32, #tpu.memory_space<hbm>> -> memref<8x2048xf32, #tpu.memory_space<hbm>>
    %dma_wait3A_662 = arith.constant 0 : i32
    %dma_wait3A_663 = tpu.memref_slice %arg4[%multiple_of3A_523, %dma_wait3A_662] : memref<4096x2048xf32, #tpu.memory_space<hbm>> -> memref<8x2048xf32, #tpu.memory_space<hbm>>
    tpu.wait_dma2 semaphore(%arg20 : memref<!tpu.dma_semaphore, #tpu.memory_space<semaphore_mem>>) src(%arg8 : memref<8x2048xf32, #tpu.memory_space<vmem>>) dst(%dma_wait3A_663 : memref<8x2048xf32, #tpu.memory_space<hbm>>)
    %dma_start3A_664 = arith.constant 0 : i32
    %dma_start3A_665 = tpu.memref_slice %arg2[%multiple_of3A_659, %dma_start3A_664] : memref<8192x2048xf32, #tpu.memory_space<hbm>> -> memref<8x2048xf32, #tpu.memory_space<hbm>>
    %dma_start3A_666 = arith.constant 0 : i32
    %dma_start3A_667 = tpu.memref_slice %arg2[%multiple_of3A_659, %dma_start3A_666] : memref<8192x2048xf32, #tpu.memory_space<hbm>> -> memref<8x2048xf32, #tpu.memory_space<hbm>>
    tpu.enqueue_dma source(%dma_start3A_667 : memref<8x2048xf32, #tpu.memory_space<hbm>>) target(%arg8 : memref<8x2048xf32, #tpu.memory_space<vmem>>) target_semaphore(%arg14 : memref<!tpu.dma_semaphore, #tpu.memory_space<semaphore_mem>>)
    %add3A_668 = arith.constant 88 : i32
    %add3A_669 = arith.addi %mul3A_2, %add3A_668 : i32
    %multiple_of3A_670 = tpu.assume_multiple %add3A_669, 8 : i32
    %dma_wait3A_671 = arith.constant 0 : i32
    %dma_wait3A_672 = tpu.memref_slice %arg2[%multiple_of3A_512, %dma_wait3A_671] : memref<8192x2048xf32, #tpu.memory_space<hbm>> -> memref<8x2048xf32, #tpu.memory_space<hbm>>
    %dma_wait3A_673 = arith.constant 0 : i32
    %dma_wait3A_674 = tpu.memref_slice %arg2[%multiple_of3A_512, %dma_wait3A_673] : memref<8192x2048xf32, #tpu.memory_space<hbm>> -> memref<8x2048xf32, #tpu.memory_space<hbm>>
    tpu.wait_dma2 semaphore(%arg17 : memref<!tpu.dma_semaphore, #tpu.memory_space<semaphore_mem>>) src(%dma_wait3A_674 : memref<8x2048xf32, #tpu.memory_space<hbm>>) dst(%arg11 : memref<8x2048xf32, #tpu.memory_space<vmem>>)
    %dma_start3A_675 = arith.constant 0 : i32
    %dma_start3A_676 = tpu.memref_slice %arg4[%multiple_of3A_670, %dma_start3A_675] : memref<4096x2048xf32, #tpu.memory_space<hbm>> -> memref<8x2048xf32, #tpu.memory_space<hbm>>
    %dma_start3A_677 = arith.constant 0 : i32
    %dma_start3A_678 = tpu.memref_slice %arg4[%multiple_of3A_670, %dma_start3A_677] : memref<4096x2048xf32, #tpu.memory_space<hbm>> -> memref<8x2048xf32, #tpu.memory_space<hbm>>
    tpu.enqueue_dma source(%arg11 : memref<8x2048xf32, #tpu.memory_space<vmem>>) target(%dma_start3A_678 : memref<8x2048xf32, #tpu.memory_space<hbm>>) target_semaphore(%arg23 : memref<!tpu.dma_semaphore, #tpu.memory_space<semaphore_mem>>)
    %add3A_679 = arith.addi %squeeze3A, %mul3A_2 : i32
    %add3A_680 = arith.constant 120 : i32
    %add3A_681 = arith.addi %add3A_679, %add3A_680 : i32
    %jit3A_682 = arith.constant 8 : i32
    %div3A_683 = arith.divsi %add3A_681, %jit3A_682 : i32
    %sign3A_684 = arith.constant 0 : i32
    %sign3A_685 = arith.cmpi sgt, %add3A_681, %sign3A_684 : i32
    %sign3A_686 = arith.extui %sign3A_685 : i1 to i32
    %sign3A_687 = arith.constant 0 : i32
    %sign3A_688 = arith.cmpi slt, %add3A_681, %sign3A_687 : i32
    %sign3A_689 = arith.extui %sign3A_688 : i1 to i32
    %sign3A_690 = arith.subi %sign3A_686, %sign3A_689 : i32
    %sign3A_691 = arith.constant 0 : i32
    %sign3A_692 = arith.cmpi sgt, %jit3A_682, %sign3A_691 : i32
    %sign3A_693 = arith.extui %sign3A_692 : i1 to i32
    %sign3A_694 = arith.constant 0 : i32
    %sign3A_695 = arith.cmpi slt, %jit3A_682, %sign3A_694 : i32
    %sign3A_696 = arith.extui %sign3A_695 : i1 to i32
    %sign3A_697 = arith.subi %sign3A_693, %sign3A_696 : i32
    %ne3A_698 = arith.cmpi ne, %sign3A_690, %sign3A_697 : i32
    %rem3A_699 = arith.remsi %add3A_681, %jit3A_682 : i32
    %ne3A_700 = arith.constant 0 : i32
    %ne3A_701 = arith.cmpi ne, %rem3A_699, %ne3A_700 : i32
    %and3A_702 = arith.andi %ne3A_698, %ne3A_701 : i1
    %sub3A_703 = arith.constant 1 : i32
    %sub3A_704 = arith.subi %div3A_683, %sub3A_703 : i32
    %select_n3A_705 = arith.select %and3A_702, %sub3A_704, %div3A_683 : i32
    %mul3A_706 = arith.constant 8 : i32
    %mul3A_707 = arith.muli %select_n3A_705, %mul3A_706 : i32
    %multiple_of3A_708 = tpu.assume_multiple %mul3A_707, 8 : i32
    %dma_wait3A_709 = arith.constant 0 : i32
    %dma_wait3A_710 = tpu.memref_slice %arg4[%multiple_of3A_572, %dma_wait3A_709] : memref<4096x2048xf32, #tpu.memory_space<hbm>> -> memref<8x2048xf32, #tpu.memory_space<hbm>>
    %dma_wait3A_711 = arith.constant 0 : i32
    %dma_wait3A_712 = tpu.memref_slice %arg4[%multiple_of3A_572, %dma_wait3A_711] : memref<4096x2048xf32, #tpu.memory_space<hbm>> -> memref<8x2048xf32, #tpu.memory_space<hbm>>
    tpu.wait_dma2 semaphore(%arg21 : memref<!tpu.dma_semaphore, #tpu.memory_space<semaphore_mem>>) src(%arg9 : memref<8x2048xf32, #tpu.memory_space<vmem>>) dst(%dma_wait3A_712 : memref<8x2048xf32, #tpu.memory_space<hbm>>)
    %dma_start3A_713 = arith.constant 0 : i32
    %dma_start3A_714 = tpu.memref_slice %arg2[%multiple_of3A_708, %dma_start3A_713] : memref<8192x2048xf32, #tpu.memory_space<hbm>> -> memref<8x2048xf32, #tpu.memory_space<hbm>>
    %dma_start3A_715 = arith.constant 0 : i32
    %dma_start3A_716 = tpu.memref_slice %arg2[%multiple_of3A_708, %dma_start3A_715] : memref<8192x2048xf32, #tpu.memory_space<hbm>> -> memref<8x2048xf32, #tpu.memory_space<hbm>>
    tpu.enqueue_dma source(%dma_start3A_716 : memref<8x2048xf32, #tpu.memory_space<hbm>>) target(%arg9 : memref<8x2048xf32, #tpu.memory_space<vmem>>) target_semaphore(%arg15 : memref<!tpu.dma_semaphore, #tpu.memory_space<semaphore_mem>>)
    %add3A_717 = arith.constant 96 : i32
    %add3A_718 = arith.addi %mul3A_2, %add3A_717 : i32
    %multiple_of3A_719 = tpu.assume_multiple %add3A_718, 8 : i32
    %dma_wait3A_720 = arith.constant 0 : i32
    %dma_wait3A_721 = tpu.memref_slice %arg2[%multiple_of3A_561, %dma_wait3A_720] : memref<8192x2048xf32, #tpu.memory_space<hbm>> -> memref<8x2048xf32, #tpu.memory_space<hbm>>
    %dma_wait3A_722 = arith.constant 0 : i32
    %dma_wait3A_723 = tpu.memref_slice %arg2[%multiple_of3A_561, %dma_wait3A_722] : memref<8192x2048xf32, #tpu.memory_space<hbm>> -> memref<8x2048xf32, #tpu.memory_space<hbm>>
    tpu.wait_dma2 semaphore(%arg12 : memref<!tpu.dma_semaphore, #tpu.memory_space<semaphore_mem>>) src(%dma_wait3A_723 : memref<8x2048xf32, #tpu.memory_space<hbm>>) dst(%arg6 : memref<8x2048xf32, #tpu.memory_space<vmem>>)
    %dma_start3A_724 = arith.constant 0 : i32
    %dma_start3A_725 = tpu.memref_slice %arg4[%multiple_of3A_719, %dma_start3A_724] : memref<4096x2048xf32, #tpu.memory_space<hbm>> -> memref<8x2048xf32, #tpu.memory_space<hbm>>
    %dma_start3A_726 = arith.constant 0 : i32
    %dma_start3A_727 = tpu.memref_slice %arg4[%multiple_of3A_719, %dma_start3A_726] : memref<4096x2048xf32, #tpu.memory_space<hbm>> -> memref<8x2048xf32, #tpu.memory_space<hbm>>
    tpu.enqueue_dma source(%arg6 : memref<8x2048xf32, #tpu.memory_space<vmem>>) target(%dma_start3A_727 : memref<8x2048xf32, #tpu.memory_space<hbm>>) target_semaphore(%arg18 : memref<!tpu.dma_semaphore, #tpu.memory_space<semaphore_mem>>)
    %add3A_728 = arith.constant 104 : i32
    %add3A_729 = arith.addi %mul3A_2, %add3A_728 : i32
    %multiple_of3A_730 = tpu.assume_multiple %add3A_729, 8 : i32
    %dma_wait3A_731 = arith.constant 0 : i32
    %dma_wait3A_732 = tpu.memref_slice %arg2[%multiple_of3A_610, %dma_wait3A_731] : memref<8192x2048xf32, #tpu.memory_space<hbm>> -> memref<8x2048xf32, #tpu.memory_space<hbm>>
    %dma_wait3A_733 = arith.constant 0 : i32
    %dma_wait3A_734 = tpu.memref_slice %arg2[%multiple_of3A_610, %dma_wait3A_733] : memref<8192x2048xf32, #tpu.memory_space<hbm>> -> memref<8x2048xf32, #tpu.memory_space<hbm>>
    tpu.wait_dma2 semaphore(%arg13 : memref<!tpu.dma_semaphore, #tpu.memory_space<semaphore_mem>>) src(%dma_wait3A_734 : memref<8x2048xf32, #tpu.memory_space<hbm>>) dst(%arg7 : memref<8x2048xf32, #tpu.memory_space<vmem>>)
    %dma_start3A_735 = arith.constant 0 : i32
    %dma_start3A_736 = tpu.memref_slice %arg4[%multiple_of3A_730, %dma_start3A_735] : memref<4096x2048xf32, #tpu.memory_space<hbm>> -> memref<8x2048xf32, #tpu.memory_space<hbm>>
    %dma_start3A_737 = arith.constant 0 : i32
    %dma_start3A_738 = tpu.memref_slice %arg4[%multiple_of3A_730, %dma_start3A_737] : memref<4096x2048xf32, #tpu.memory_space<hbm>> -> memref<8x2048xf32, #tpu.memory_space<hbm>>
    tpu.enqueue_dma source(%arg7 : memref<8x2048xf32, #tpu.memory_space<vmem>>) target(%dma_start3A_738 : memref<8x2048xf32, #tpu.memory_space<hbm>>) target_semaphore(%arg19 : memref<!tpu.dma_semaphore, #tpu.memory_space<semaphore_mem>>)
    %add3A_739 = arith.constant 112 : i32
    %add3A_740 = arith.addi %mul3A_2, %add3A_739 : i32
    %multiple_of3A_741 = tpu.assume_multiple %add3A_740, 8 : i32
    %dma_wait3A_742 = arith.constant 0 : i32
    %dma_wait3A_743 = tpu.memref_slice %arg2[%multiple_of3A_659, %dma_wait3A_742] : memref<8192x2048xf32, #tpu.memory_space<hbm>> -> memref<8x2048xf32, #tpu.memory_space<hbm>>
    %dma_wait3A_744 = arith.constant 0 : i32
    %dma_wait3A_745 = tpu.memref_slice %arg2[%multiple_of3A_659, %dma_wait3A_744] : memref<8192x2048xf32, #tpu.memory_space<hbm>> -> memref<8x2048xf32, #tpu.memory_space<hbm>>
    tpu.wait_dma2 semaphore(%arg14 : memref<!tpu.dma_semaphore, #tpu.memory_space<semaphore_mem>>) src(%dma_wait3A_745 : memref<8x2048xf32, #tpu.memory_space<hbm>>) dst(%arg8 : memref<8x2048xf32, #tpu.memory_space<vmem>>)
    %dma_start3A_746 = arith.constant 0 : i32
    %dma_start3A_747 = tpu.memref_slice %arg4[%multiple_of3A_741, %dma_start3A_746] : memref<4096x2048xf32, #tpu.memory_space<hbm>> -> memref<8x2048xf32, #tpu.memory_space<hbm>>
    %dma_start3A_748 = arith.constant 0 : i32
    %dma_start3A_749 = tpu.memref_slice %arg4[%multiple_of3A_741, %dma_start3A_748] : memref<4096x2048xf32, #tpu.memory_space<hbm>> -> memref<8x2048xf32, #tpu.memory_space<hbm>>
    tpu.enqueue_dma source(%arg8 : memref<8x2048xf32, #tpu.memory_space<vmem>>) target(%dma_start3A_749 : memref<8x2048xf32, #tpu.memory_space<hbm>>) target_semaphore(%arg20 : memref<!tpu.dma_semaphore, #tpu.memory_space<semaphore_mem>>)
    %add3A_750 = arith.constant 120 : i32
    %add3A_751 = arith.addi %mul3A_2, %add3A_750 : i32
    %multiple_of3A_752 = tpu.assume_multiple %add3A_751, 8 : i32
    %dma_wait3A_753 = arith.constant 0 : i32
    %dma_wait3A_754 = tpu.memref_slice %arg2[%multiple_of3A_708, %dma_wait3A_753] : memref<8192x2048xf32, #tpu.memory_space<hbm>> -> memref<8x2048xf32, #tpu.memory_space<hbm>>
    %dma_wait3A_755 = arith.constant 0 : i32
    %dma_wait3A_756 = tpu.memref_slice %arg2[%multiple_of3A_708, %dma_wait3A_755] : memref<8192x2048xf32, #tpu.memory_space<hbm>> -> memref<8x2048xf32, #tpu.memory_space<hbm>>
    tpu.wait_dma2 semaphore(%arg15 : memref<!tpu.dma_semaphore, #tpu.memory_space<semaphore_mem>>) src(%dma_wait3A_756 : memref<8x2048xf32, #tpu.memory_space<hbm>>) dst(%arg9 : memref<8x2048xf32, #tpu.memory_space<vmem>>)
    %dma_start3A_757 = arith.constant 0 : i32
    %dma_start3A_758 = tpu.memref_slice %arg4[%multiple_of3A_752, %dma_start3A_757] : memref<4096x2048xf32, #tpu.memory_space<hbm>> -> memref<8x2048xf32, #tpu.memory_space<hbm>>
    %dma_start3A_759 = arith.constant 0 : i32
    %dma_start3A_760 = tpu.memref_slice %arg4[%multiple_of3A_752, %dma_start3A_759] : memref<4096x2048xf32, #tpu.memory_space<hbm>> -> memref<8x2048xf32, #tpu.memory_space<hbm>>
    tpu.enqueue_dma source(%arg9 : memref<8x2048xf32, #tpu.memory_space<vmem>>) target(%dma_start3A_760 : memref<8x2048xf32, #tpu.memory_space<hbm>>) target_semaphore(%arg21 : memref<!tpu.dma_semaphore, #tpu.memory_space<semaphore_mem>>)
    %dma_wait3A_761 = arith.constant 0 : i32
    %dma_wait3A_762 = tpu.memref_slice %arg4[%multiple_of3A_719, %dma_wait3A_761] : memref<4096x2048xf32, #tpu.memory_space<hbm>> -> memref<8x2048xf32, #tpu.memory_space<hbm>>
    %dma_wait3A_763 = arith.constant 0 : i32
    %dma_wait3A_764 = tpu.memref_slice %arg4[%multiple_of3A_719, %dma_wait3A_763] : memref<4096x2048xf32, #tpu.memory_space<hbm>> -> memref<8x2048xf32, #tpu.memory_space<hbm>>
    tpu.wait_dma2 semaphore(%arg18 : memref<!tpu.dma_semaphore, #tpu.memory_space<semaphore_mem>>) src(%arg6 : memref<8x2048xf32, #tpu.memory_space<vmem>>) dst(%dma_wait3A_764 : memref<8x2048xf32, #tpu.memory_space<hbm>>)
    %dma_wait3A_765 = arith.constant 0 : i32
    %dma_wait3A_766 = tpu.memref_slice %arg4[%multiple_of3A_730, %dma_wait3A_765] : memref<4096x2048xf32, #tpu.memory_space<hbm>> -> memref<8x2048xf32, #tpu.memory_space<hbm>>
    %dma_wait3A_767 = arith.constant 0 : i32
    %dma_wait3A_768 = tpu.memref_slice %arg4[%multiple_of3A_730, %dma_wait3A_767] : memref<4096x2048xf32, #tpu.memory_space<hbm>> -> memref<8x2048xf32, #tpu.memory_space<hbm>>
    tpu.wait_dma2 semaphore(%arg19 : memref<!tpu.dma_semaphore, #tpu.memory_space<semaphore_mem>>) src(%arg7 : memref<8x2048xf32, #tpu.memory_space<vmem>>) dst(%dma_wait3A_768 : memref<8x2048xf32, #tpu.memory_space<hbm>>)
    %dma_wait3A_769 = arith.constant 0 : i32
    %dma_wait3A_770 = tpu.memref_slice %arg4[%multiple_of3A_741, %dma_wait3A_769] : memref<4096x2048xf32, #tpu.memory_space<hbm>> -> memref<8x2048xf32, #tpu.memory_space<hbm>>
    %dma_wait3A_771 = arith.constant 0 : i32
    %dma_wait3A_772 = tpu.memref_slice %arg4[%multiple_of3A_741, %dma_wait3A_771] : memref<4096x2048xf32, #tpu.memory_space<hbm>> -> memref<8x2048xf32, #tpu.memory_space<hbm>>
    tpu.wait_dma2 semaphore(%arg20 : memref<!tpu.dma_semaphore, #tpu.memory_space<semaphore_mem>>) src(%arg8 : memref<8x2048xf32, #tpu.memory_space<vmem>>) dst(%dma_wait3A_772 : memref<8x2048xf32, #tpu.memory_space<hbm>>)
    %dma_wait3A_773 = arith.constant 0 : i32
    %dma_wait3A_774 = tpu.memref_slice %arg4[%multiple_of3A_752, %dma_wait3A_773] : memref<4096x2048xf32, #tpu.memory_space<hbm>> -> memref<8x2048xf32, #tpu.memory_space<hbm>>
    %dma_wait3A_775 = arith.constant 0 : i32
    %dma_wait3A_776 = tpu.memref_slice %arg4[%multiple_of3A_752, %dma_wait3A_775] : memref<4096x2048xf32, #tpu.memory_space<hbm>> -> memref<8x2048xf32, #tpu.memory_space<hbm>>
    tpu.wait_dma2 semaphore(%arg21 : memref<!tpu.dma_semaphore, #tpu.memory_space<semaphore_mem>>) src(%arg9 : memref<8x2048xf32, #tpu.memory_space<vmem>>) dst(%dma_wait3A_776 : memref<8x2048xf32, #tpu.memory_space<hbm>>)
    %dma_wait3A_777 = arith.constant 0 : i32
    %dma_wait3A_778 = tpu.memref_slice %arg4[%multiple_of3A_621, %dma_wait3A_777] : memref<4096x2048xf32, #tpu.memory_space<hbm>> -> memref<8x2048xf32, #tpu.memory_space<hbm>>
    %dma_wait3A_779 = arith.constant 0 : i32
    %dma_wait3A_780 = tpu.memref_slice %arg4[%multiple_of3A_621, %dma_wait3A_779] : memref<4096x2048xf32, #tpu.memory_space<hbm>> -> memref<8x2048xf32, #tpu.memory_space<hbm>>
    tpu.wait_dma2 semaphore(%arg22 : memref<!tpu.dma_semaphore, #tpu.memory_space<semaphore_mem>>) src(%arg10 : memref<8x2048xf32, #tpu.memory_space<vmem>>) dst(%dma_wait3A_780 : memref<8x2048xf32, #tpu.memory_space<hbm>>)
    %dma_wait3A_781 = arith.constant 0 : i32
    %dma_wait3A_782 = tpu.memref_slice %arg4[%multiple_of3A_670, %dma_wait3A_781] : memref<4096x2048xf32, #tpu.memory_space<hbm>> -> memref<8x2048xf32, #tpu.memory_space<hbm>>
    %dma_wait3A_783 = arith.constant 0 : i32
    %dma_wait3A_784 = tpu.memref_slice %arg4[%multiple_of3A_670, %dma_wait3A_783] : memref<4096x2048xf32, #tpu.memory_space<hbm>> -> memref<8x2048xf32, #tpu.memory_space<hbm>>
    tpu.wait_dma2 semaphore(%arg23 : memref<!tpu.dma_semaphore, #tpu.memory_space<semaphore_mem>>) src(%arg11 : memref<8x2048xf32, #tpu.memory_space<vmem>>) dst(%dma_wait3A_784 : memref<8x2048xf32, #tpu.memory_space<hbm>>)
    return
  }
}

</mosaic_0001>

<sc_bundles>
// kernel: kernel.3.cloned.1.call-start
scs
__scs_entry_jumppad:
0x0: {  	(pc) =	sbr.rel $0x88, $3  }
0x1: {  	(tag) =	ssettag $0x0;
	lr =	simm.s32 $0x1  }
0x2: {  	[smem:$0x3F9F] =	sst lr;
	_ =	strace $0xD0000000  }
0x3: {  	_ = 	snop  }
0x4: {  	_ = 	snop  }
0x5: {  	_ = 	snop  }
0x6: {  	_ = 	snop  }
0x7: {  	_ = 	snop  }
__scs_overlays_trampoline_lowered:
0x8: {  	[smem:$0x3FAE] =	sst s0  }
0x9: {  	[smem:$0x3FAF] =	sst s1  }
0xa: {  	[smem:$0x3FB0] =	sst s2  }
0xb: {  	[smem:$0x3FB1] =	sst s3  }
0xc: {  	[smem:$0x3FB2] =	sst s4  }
0xd: {  	[smem:$0x3FB3] =	sst s5  }
0xe: {  	[smem:$0x3FB4] =	sst s6  }
0xf: {  	[smem:$0x3FB5] =	sst s7  }
0x10: {  	[smem:$0x3FB6] =	sst s8  }
0x11: {  	[smem:$0x3FB7] =	sst s9;
	s0 =	simm.s32 @!p0 $0x0  }
0x12: {  	s1 =	sld [smem:$0x3F9D];
	s0 =	simm.s32 @p0 $0x1  }
0x13: {  	[smem:$0x3FB8] =	sst s0;
	s0 =	simm.s32 @!p1 $0x0  }
0x14: {  	s2 =	sld [smem:$0x3F9C];
	s0 =	simm.s32 @p1 $0x1  }
0x15: {  	[smem:$0x3FB9] =	sst s0;
	s0 =	simm.s32 @!p2 $0x0  }
0x16: {  	s3 =	sld [smem:$0x3FDB];
	s0 =	simm.s32 @p2 $0x1  }
0x17: {  	s4 =	simm.s32 $0x1BF5;
	[smem:$0x3FBB] =	sst s0  }
0x18: {  	s0 =	sld [smem:$0x3F9E];
	_ =	swait.ge [sflag:s4], $0x0  }
0x19: {  	s7 =	sld [smem:$0x3F9F]  }
0x1a: {  	s8 =	sadd.s32 $0xFFFFE003, lr  }
0x1b: {  	s9 =	sadd.s32 $0xFFFFFEF7, lr;
	s5 =	simm.s32 $0xFFFFFFFF;
	p2 =	slt.u32 s8, $0xFFFFF086  }
0x1c: {  	p1 =	slt.u32 s9, $0xF7A;
	s5 =	simm.s32 @!p2 $0x0  }
0x1d: {  	s5 =	simm.s32 @p1 $0x1;
	p0 =	seq.s32 s7, s2  }
0x1e: {  	s7 =	smul.u32 @!p0 $0xF7A, s2;
	p2 =	seq.s32 @!p0 s5, $0x0  }
0x1f: {  	s9 =	smul.u32 $0xF7A, s1;
	s8 =	simm.s32 @!p0 $0x1BF5;
	p2 =	por !p2, p0  }
0x20: {  	[sflag:s8] =	ssyncset.s32 @!p0 $0xFFFFF086;
	s6 =	sadd.s32 @!p0 s3, s7;
	s7 =	simm.s32 @!p0 $0x108  }
0x21: {  	s3 =	sadd.s32 s3, s9;
	s6 =	sadd.s32 @!p0 $0x88, s6;
	s7 =	simm.s32 @p2 $0x1082  }
0x22: {  	[simem:s7], [sflag:s8] =	dma.local @!p0 [hbm:s6], $0xF7A  }
0x23: {  	s9 =	sor.u32 $0xD0000000, s2;
	s6 =	simm.s32 $0x108;
	_ =	swait.ge @!p0 [sflag:s8], $0x0  }
0x24: {  	s3 =	sadd.s32 $0x88, s3;
	s6 =	simm.s32 @!p1 $0x1082;
	[sflag:s4] =	ssyncset.s32 $0xFFFFF086  }
0x25: {  	[simem:s6], [sflag:s4] =	dma.local [hbm:s3], $0xF7A  }
0x26: {  	[smem:$0x3F9F] =	sst s1;
	(tag) =	ssettag s2;
	_ =	strace s9  }
0x27: {  	s1 =	sld [smem:$0x3FAF]  }
0x28: {  	s2 =	sld [smem:$0x3FB0]  }
0x29: {  	s4 =	sld [smem:$0x3FB2]  }
0x2a: {  	p0 =	seq.s32 s5, $0x0;
	s5 =	sld [smem:$0x3FB3]  }
0x2b: {  	s6 =	sld [smem:$0x3FB4]  }
0x2c: {  	s7 =	sld [smem:$0x3FB5]  }
0x2d: {  	s3 =	simm.s32 $0x108;
	s8 =	sld [smem:$0x3FB6]  }
0x2e: {  	s3 =	simm.s32 @!p0 $0x1082;
	s9 =	sld [smem:$0x3FB7]  }
0x2f: {  	lr =	sadd.s32 s0, s3;
	s0 =	sld [smem:$0x3FAE]  }
0x30: {  	s3 =	sld [smem:$0x3FB1]  }
0x31: {  	[smem:$0x3FBA] =	sst s10  }
0x32: {  	s10 =	sld [smem:$0x3FB8];
	_ =	sdelay $0x3  }
0x33: {  	p0 =	seq.s32 s10, $0x1;
	s10 =	sld [smem:$0x3FBA];
	_ =	sdelay $0x3  }
0x34: {  	[smem:$0x3FBA] =	sst s10  }
0x35: {  	s10 =	sld [smem:$0x3FB9];
	_ =	sdelay $0x3  }
0x36: {  	p1 =	seq.s32 s10, $0x1;
	s10 =	sld [smem:$0x3FBA];
	_ =	sdelay $0x3  }
0x37: {  	[smem:$0x3FBA] =	sst s10  }
0x38: {  	s10 =	sld [smem:$0x3FBB]  }
0x39: {  	_ = 	snop;
	(pc) =	sbr.ind lr, $3  }
0x3a: {  	_ = 	snop  }
0x3b: {  	_ = 	snop  }
0x3c: {  	p2 =	seq.s32 s10, $0x1;
	s10 =	sld [smem:$0x3FBA]  }
0x3d: {  	_ =	shalt  }
0x3e: {  	_ =	shalt  }
0x3f: {  	_ =	shalt  }
0x40: {  	_ =	shalt  }
0x41: {  	_ =	shalt  }
0x42: {  	_ =	shalt  }
0x43: {  	_ =	shalt  }
0x44: {  	_ =	shalt  }
0x45: {  	_ =	shalt  }
0x46: {  	_ =	shalt  }
0x47: {  	_ =	shalt  }
0x48: {  	_ =	shalt  }
0x49: {  	_ =	shalt  }
0x4a: {  	_ =	shalt  }
0x4b: {  	_ =	shalt  }
0x4c: {  	_ =	shalt  }
0x4d: {  	_ =	shalt  }
0x4e: {  	_ =	shalt  }
0x4f: {  	_ =	shalt  }
0x50: {  	_ =	shalt  }
0x51: {  	_ =	shalt  }
0x52: {  	_ =	shalt  }
0x53: {  	_ =	shalt  }
0x54: {  	_ =	shalt  }
0x55: {  	_ =	shalt  }
0x56: {  	_ =	shalt  }
0x57: {  	_ =	shalt  }
0x58: {  	_ =	shalt  }
0x59: {  	_ =	shalt  }
0x5a: {  	_ =	shalt  }
0x5b: {  	_ =	shalt  }
0x5c: {  	_ =	shalt  }
0x5d: {  	_ =	shalt  }
0x5e: {  	_ =	shalt  }
0x5f: {  	_ =	shalt  }
0x60: {  	_ =	shalt  }
0x61: {  	_ =	shalt  }
0x62: {  	_ =	shalt  }
0x63: {  	_ =	shalt  }
0x64: {  	_ =	shalt  }
0x65: {  	_ =	shalt  }
0x66: {  	_ =	shalt  }
0x67: {  	_ =	shalt  }
0x68: {  	_ =	shalt  }
0x69: {  	_ =	shalt  }
0x6a: {  	_ =	shalt  }
0x6b: {  	_ =	shalt  }
0x6c: {  	_ =	shalt  }
0x6d: {  	_ =	shalt  }
0x6e: {  	_ =	shalt  }
0x6f: {  	_ =	shalt  }
0x70: {  	_ =	shalt  }
0x71: {  	_ =	shalt  }
0x72: {  	_ =	shalt  }
0x73: {  	_ =	shalt  }
0x74: {  	_ =	shalt  }
0x75: {  	_ =	shalt  }
0x76: {  	_ =	shalt  }
0x77: {  	_ =	shalt  }
0x78: {  	_ =	shalt  }
0x79: {  	_ =	shalt  }
0x7a: {  	_ =	shalt  }
0x7b: {  	_ =	shalt  }
0x7c: {  	_ =	shalt  }
0x7d: {  	_ =	shalt  }
0x7e: {  	_ =	shalt  }
0x7f: {  	_ =	shalt  }
0x80: {  	_ =	shalt  }
0x81: {  	_ =	shalt  }
0x82: {  	_ =	shalt  }
0x83: {  	_ =	shalt  }
0x84: {  	_ =	shalt  }
0x85: {  	_ =	shalt  }
0x86: {  	_ =	shalt  }
0x87: {  	_ =	shalt  }
.Lfunc_end0:
.L_simem_size_0:
called_computation_lowered:
.L_overlay_start_0:
0x88: {  	s2 =	sld [smem:$0x3FD9]  }
0x89: {  	s3 =	sld [smem:$0x3FFE];
	_ =	sdelay $0x1  }
0x8a: {  	s1 =	srdreg.scid  }
0x8b: {  	s0 =	sand.u32 $0x1, s1  }
0x8c: {  	s17 =	sshll.u32 s0, $0xA;
	s2 =	sadd.s32 s3, s2  }
0x8d: {  	s2 =	sadd.s32 s2, s17  }
0x8e: {  	[smem:$0x3FC6] =	sst s2  }
0x8f: {  	_ = 	snop  }
0x90: {  	s2 =	sld [smem:$0x3FC9]  }
0x91: {  	s18 =	sld [smem:$0x3FD0];
	(tm) =	ssettm $0x1  }
0x92: {  	s4 =	sld [smem:$0x3FFB];
	_ =	sdelay $0x3  }
0x93: {  	_ =	strace s4  }
0x94: {  	s4 =	sld [smem:$0x3FFC];
	_ =	sdelay $0x3  }
0x95: {  	_ =	strace s4  }
0x96: {  	s4 =	sld [smem:$0x3FFD];
	_ =	sdelay $0x3  }
0x97: {  	_ =	strace s4  }
0x98: {  	_ =	strace $0x8FFFFFFF  }
0x99: {  	s19 =	sld [smem:$0x3FDB];
	_ =	sdelay $0x1  }
0x9a: {  	s5 =	simm.s32 $_scs_section_size  }
0x9b: {  	s6 =	simm.s32 $_size__tile_overlayer_lowered;
	s7 =	simm.s32 $_tile_overlayer_lowered  }
0x9c: {  	s22 =	simm.s32 $0x1BFF;
	s21 =	sshll.u32 s7, $0x1;
	s4 =	sadd.s32 s5, s19  }
0x9d: {  	s8 =	simm.s32 $0x0;
	s20 =	sshll.u32 s6, $0x1;
	s6 =	sadd.s32 s21, s4  }
0x9e: {  	[timem:s8], [sflag:s22] =	dma.local [hbm:s6], s20  }
0x9f: {  	_ =	swait.ge [sflag:s22], s20  }
0xa0: {  	s5 =	ssub.s32 $0x0, s20;
	[sflag:s22] =	ssyncset.done $0x0  }
0xa1: {  	[sflag:s22] =	ssyncadd.s32 s5;
	_ =	sdelay $0x1  }
0xa2: {  	s23 =	simm.s32 $0x1B8B  }
0xa3: {  	_ =	swait.ge [sflag:s23], $0x1  }
0xa4: {  	[sflag:s23] =	ssyncset.done $0x0  }
0xa5: {  	s25 =	simm.s32 $0x1B8E;
	s24 =	sld [smem:$0x3FFE];
	[sflag:s23] =	ssyncadd.s32 $0xFFFFFFFF  }
0xa6: {  	s26 =	simm.s32 $execute0_lowered;
	[smem:$0x3FD2] =	sst s25  }
0xa7: {  	s6 =	sshll.u32 s26, $0x1;
	_ =	strace $0x80000046;
	[dreg:$0x1] =	wrdreg $0xFFFFFFFF  }
0xa8: {  	s28 =	simm.s32 $_size_execute0_lowered;
	s4 =	sadd.s32 s4, s6;
	[dreg:$0x0] =	wrdreg $0x0  }
0xa9: {  	s6 =	sshll.u32 s28, $0x1;
	[dreg:$0x2] =	wrdreg s4  }
0xaa: {  	[dreg:$0x3] =	wrdreg s6  }
0xab: {  	[dreg:$0x4] =	wrdreg $0xC0  }
0xac: {  	_ =	task [dreg:s8], $0x5FFFF  }
0xad: {  	[dreg:$0x1] =	wrdreg $0xFFFFFFFF  }
0xae: {  	[dreg:$0x0] =	wrdreg $0x60  }
0xaf: {  	[dreg:$0x2] =	wrdreg s2  }
0xb0: {  	[dreg:$0x3] =	wrdreg s24  }
0xb1: {  	[dreg:$0x4] =	wrdreg s18  }
0xb2: {  	[dreg:$0x5] =	wrdreg $0x9  }
0xb3: {  	_ =	task.clear_ibuf [dreg:s8], $0x6FFFF;
	_ =	strace $0x90000046  }
0xb4: {  	s29 =	simm.s32 $0x9;
	_ =	strace $0x80000048  }
0xb5: {  	_ =	swait.ge [sflag:s29], $0x1  }
0xb6: {  	[sflag:s29] =	ssyncadd.s32 $0xFFFFFFFF  }
0xb7: {  	_ =	strace $0x90000048  }
0xb8: {  	_ =	sfence  }
0xb9: {  	s30 =	sld [smem:$0x0];
	_ =	sdelay $0x2  }
0xba: {  	s31 =	sshll.u32 s1, $0xD;
	s1 =	sshrl.u32 s1, $0x2  }
0xbb: {  	s3 =	sand.u32 $0x4000, s31;
	s1 =	sadd.s32 s1, s30  }
0xbc: {  	s0 =	sor.u32 s3, s0;
	s1 =	sshll.u32 s1, $0x11  }
0xbd: {  	s0 =	sor.u32 s1, s0  }
0xbe: {  	s0 =	sadd.s32 $0x8F2B, s0  }
0xbf: {  	[sflag:s0] =	ssyncadd.remote.s32 $0x1  }
0xc0: {  	_ =	sfence.sel $0xFFFF  }
0xc1: {  	[dreg:$0x0] =	wrdreg $0xFFFFFFFF;
	(pc) =	sbr.abs _section_cstart, $3  }
0xc2: {  	[dreg:$0x1] =	wrdreg $0xFFFFFFFF  }
0xc3: {  	_ =	task.clear_ibuf [dreg:s8], $0x2FFFF;
	_ =	strace $0x9FFFFFFF  }
0xc4: {  	(tm) =	ssettm $0x7FFFFFFF  }
0xc5: {  	_ =	shalt  }
tec
execute0_lowered:
.L_overlay_start_1:
0x0: {  	(tag) =	ssettag $0x1  }
0x1: {  	s0 =	srdreg.scid  }
0x2: {  	s3 =	rddreg [dreg:$0x0];
	s18 =	stileid.u32;
	s0 =	sand.u32 $0x1, s0  }
0x3: {  	s1 =	rddreg [dreg:$0x1];
	s5 =	sshll.u32 s18, $0x8;
	s6 =	sshll.u32 s0, $0x7  }
0x4: {  	s4 =	rddreg [dreg:$0x2];
	s23 =	sor.u32 s6, s5  }
0x5: {  	s20 =	rddreg [dreg:$0x3];
	s2 =	simm.s32 $0x0;
	s5 =	sshll.u32 s23, $0x8  }
0x6: {  	[smem:$0x7FF] =	sst s2;
	s1 =	sadd.s32 $0x400, s1;
	s28 =	sadd.s32 s4, s5  }
0x7: {  	_ =	strace $0x80000047;
	[dreg:$0x4] =	wrdreg s1;
	s10 =	sadd.s32 $0x800, s28  }
0x8: {  	s11 =	sadd.s32 $0x1000, s28;
	[dreg:$0x5] =	wrdreg s10  }
0x9: {  	s12 =	sadd.s32 $0x1800, s28;
	[dreg:$0x6] =	wrdreg s11  }
0xa: {  	s13 =	sadd.s32 $0x2000, s28;
	[dreg:$0x7] =	wrdreg s12  }
0xb: {  	s31 =	simm.s32 $0xC080;
	s14 =	sadd.s32 $0x2800, s28;
	[dreg:$0x8] =	wrdreg s13  }
0xc: {  	s7 =	simm.s32 $0x10080;
	s15 =	sadd.s32 $0x3000, s28;
	[dreg:$0x9] =	wrdreg s14  }
0xd: {  	s9 =	simm.s32 $0x8;
	s16 =	sadd.s32 $0x3800, s28;
	[dreg:$0xa] =	wrdreg s15  }
0xe: {  	s8 =	simm.s32 $0x9;
	s17 =	sadd.s32 $0x4000, s28;
	[dreg:$0xb] =	wrdreg s16  }
0xf: {  	p0 =	por $0x0, $0x0;
	s19 =	sadd.s32 $0x4800, s28;
	[dreg:$0xc] =	wrdreg s17  }
0x10: {  	s0 =	ssub.s32 $0x2, s0;
	s21 =	sadd.s32 $0x5000, s28;
	[dreg:$0xd] =	wrdreg s19  }
0x11: {  	s29 =	sshrl.u32 s0, $0x1;
	s22 =	sadd.s32 $0x5800, s28;
	[dreg:$0xe] =	wrdreg s21  }
0x12: {  	s6 =	simm.s32 $0xA;
	s24 =	sadd.s32 $0x6000, s28;
	[dreg:$0xf] =	wrdreg s22  }
0x13: {  	s0 =	ssub.s32 s0, s29;
	s25 =	sadd.s32 $0x6800, s28;
	[dreg:$0x10] =	wrdreg s24  }
0x14: {  	s0 =	smax.u32 s0, $0x1;
	s26 =	sadd.s32 $0x7000, s28;
	[dreg:$0x11] =	wrdreg s25  }
0x15: {  	s4 =	simm.s32 $0xD;
	s30 =	sadd.s32 $0x7800, s28;
	[dreg:$0x12] =	wrdreg s26  }
0x16: {  	s5 =	simm.s32 $0xC;
	p1 =	sne.s32 s0, $0x1;
	[dreg:$0x13] =	wrdreg s30  }
.Ltmp0:
0x17: {  	s15 =	simm.s32 $0x1;
	s16 =	simm.s32 $0x80;
	(pc) =	sbr.rel @!p1 .LBB2_5-.Ltmp0, $4  }
0x18: {  	s13 =	simm.s32 $0x4080;
	s11 =	simm.s32 $0x8080;
	s17 =	simm.s32 $0x2  }
0x19: {  	s22 =	simm.s32 $0x14080;
	s14 =	simm.s32 $0x3;
	s10 =	simm.s32 $0x7  }
0x1a: {  	s12 =	simm.s32 $0x4;
	s21 =	simm.s32 $0x5;
	s19 =	simm.s32 $0x6  }
0x1b: {  	s24 =	simm.s32 $0xB;
	s25 =	sadd.s32 $0xFFFFFFFF, s0;
	s0 =	rddreg [dreg:$0x4]  }
0x1c: {  	[tilespmem:s2], [sflag:$0xD] =	stream.linear.gather [hbm4b:s0+s2], $0x80, $0x38;
	[tilespmem:$0x18080] =	vst v63  }
0x1d: {  	_ =	swait.ge [sflag:s4], $0x80  }
0x1e: {  	[sflag:s4] =	ssyncset.done $0x0  }
0x1f: {  	[sflag:s4] =	ssyncadd.s32 $0xFFFFFF80  }
0x20: {  	v0 =	vld [tilespmem:$0x0];
	_ =	sdelay $0x4  }
0x21: {  	v0 =	vadd.s32 $0xFFFFF000, v0  }
0x22: {  	vm0 =	vgt.s32 v0, $0x0  }
0x23: {  	v0 =	vnsel vm0, $0x0, v0  }
0x24: {  	v0 =	vmin.u32 v0, $0x1000  }
0x25: {  	(v2sf) =	vpush v0, $0x0;
	_ =	sdelay $0xe  }
0x26: {  	s20 =	spop (v2sf)  }
0x27: {  	s1 =	sadd.s32 s23, s20;
	s0 =	sand.u32 $0x7, s20  }
0x28: {  	p0 =	seq.s32 s1, $0x0;
	p1 =	sne.s32 s0, $0x0  }
0x29: {  	p0 =	por !p0, !p1  }
0x2a: {  	s0 =	simm.s32 $0x1;
	p0 =	por !p0, !p0  }
0x2b: {  	s22 =	sshrl.u32 s1, $0x3;
	s0 =	simm.s32 @!p0 $0x0  }
0x2c: {  	s0 =	ssub.s32 s22, s0  }
0x2d: {  	s0 =	sshll.u32 s0, $0xB  }
0x2e: {  	s26 =	sshll.u32 s1, $0x8;
	s0 =	sand.u32 $0x1FFFF800, s0  }
0x2f: {  	s22 =	sadd.s32 $0x800, s26;
	s0 =	sadd.s32 s3, s0  }
0x30: {  	[tilespmem:s16], [sflag:$0x1] =	stream.linear.gather [hbm4b:s0+s2], $0x4000, $0x38;
	[tilespmem:$0x18080] =	vst v63  }
0x31: {  	s0 =	sand.u32 $0x7FF800, s22  }
0x32: {  	s29 =	sadd.s32 $0x1000, s26;
	s0 =	sadd.s32 s3, s0  }
0x33: {  	[tilespmem:s13], [sflag:$0x2] =	stream.linear.gather [hbm4b:s0+s2], $0x4000, $0x38;
	[tilespmem:$0x18080] =	vst v63  }
0x34: {  	s0 =	sand.u32 $0x7FF800, s29  }
0x35: {  	s30 =	sadd.s32 $0x1800, s26;
	s0 =	sadd.s32 s3, s0  }
0x36: {  	[tilespmem:s11], [sflag:$0x3] =	stream.linear.gather [hbm4b:s0+s2], $0x4000, $0x38;
	[tilespmem:$0x18080] =	vst v63  }
0x37: {  	s0 =	sand.u32 $0x7FF800, s30  }
0x38: {  	s0 =	sadd.s32 s3, s0  }
0x39: {  	[tilespmem:s31], [sflag:$0x4] =	stream.linear.gather [hbm4b:s0+s2], $0x4000, $0x38;
	[tilespmem:$0x18080] =	vst v63  }
0x3a: {  	_ =	swait.ge [sflag:s15], $0x4000  }
0x3b: {  	s1 =	sadd.s32 $0x2000, s26;
	[sflag:s15] =	ssyncset.done $0x0  }
0x3c: {  	s0 =	sand.u32 $0x7FF800, s1;
	[sflag:s15] =	ssyncadd.s32 $0xFFFFC000  }
0x3d: {  	[hbm4b:s28+s2] =	stream.linear.scatter [tilespmem:s16], [sflag:$0x7], $0x4000, $0x38;
	[tilespmem:$0x18080] =	vst v63  }
0x3e: {  	s0 =	sadd.s32 s3, s0  }
0x3f: {  	[tilespmem:s7], [sflag:$0x5] =	stream.linear.gather [hbm4b:s0+s2], $0x4000, $0x38;
	[tilespmem:$0x18080] =	vst v63  }
0x40: {  	_ =	swait.ge [sflag:s17], $0x4000  }
0x41: {  	s22 =	sadd.s32 $0x2800, s26;
	[sflag:s17] =	ssyncset.done $0x0  }
0x42: {  	s0 =	sand.u32 $0x7FF800, s22;
	s20 =	rddreg [dreg:$0x5];
	[sflag:s17] =	ssyncadd.s32 $0xFFFFC000  }
0x43: {  	[hbm4b:s20+s2] =	stream.linear.scatter [tilespmem:s13], [sflag:$0x8], $0x4000, $0x38;
	[tilespmem:$0x18080] =	vst v63  }
0x44: {  	s18 =	simm.s32 $0x14080;
	s0 =	sadd.s32 s3, s0  }
0x45: {  	[tilespmem:s18], [sflag:$0x6] =	stream.linear.gather [hbm4b:s0+s2], $0x4000, $0x38;
	[tilespmem:$0x18080] =	vst v63  }
0x46: {  	_ =	swait.ge [sflag:s14], $0x4000  }
0x47: {  	[sflag:s14] =	ssyncset.done $0x0  }
0x48: {  	s29 =	rddreg [dreg:$0x6];
	[sflag:s14] =	ssyncadd.s32 $0xFFFFC000  }
0x49: {  	[hbm4b:s29+s2] =	stream.linear.scatter [tilespmem:s11], [sflag:$0x9], $0x4000, $0x38;
	[tilespmem:$0x18080] =	vst v63  }
0x4a: {  	s30 =	sadd.s32 $0x3000, s26;
	_ =	swait.ge [sflag:s10], $0x4000  }
0x4b: {  	s0 =	sand.u32 $0x7FF800, s30;
	[sflag:s10] =	ssyncset.done $0x0  }
0x4c: {  	s0 =	sadd.s32 s3, s0;
	[sflag:s10] =	ssyncadd.s32 $0xFFFFC000  }
0x4d: {  	[tilespmem:s16], [sflag:$0x1] =	stream.linear.gather [hbm4b:s0+s2], $0x4000, $0x38;
	[tilespmem:$0x18080] =	vst v63  }
0x4e: {  	_ =	swait.ge [sflag:s12], $0x4000  }
0x4f: {  	[sflag:s12] =	ssyncset.done $0x0  }
0x50: {  	s1 =	rddreg [dreg:$0x7];
	[sflag:s12] =	ssyncadd.s32 $0xFFFFC000  }
0x51: {  	[hbm4b:s1+s2] =	stream.linear.scatter [tilespmem:s31], [sflag:$0xA], $0x4000, $0x38;
	[tilespmem:$0x18080] =	vst v63  }
0x52: {  	s20 =	sadd.s32 $0x3800, s26;
	_ =	swait.ge [sflag:s9], $0x4000  }
0x53: {  	s0 =	sand.u32 $0x7FF800, s20;
	[sflag:s9] =	ssyncset.done $0x0  }
0x54: {  	s0 =	sadd.s32 s3, s0;
	[sflag:s9] =	ssyncadd.s32 $0xFFFFC000  }
0x55: {  	[tilespmem:s13], [sflag:$0x2] =	stream.linear.gather [hbm4b:s0+s2], $0x4000, $0x38;
	[tilespmem:$0x18080] =	vst v63  }
0x56: {  	_ =	swait.ge [sflag:s21], $0x4000  }
0x57: {  	[sflag:s21] =	ssyncset.done $0x0  }
0x58: {  	s22 =	rddreg [dreg:$0x8];
	[sflag:s21] =	ssyncadd.s32 $0xFFFFC000  }
0x59: {  	[hbm4b:s22+s2] =	stream.linear.scatter [tilespmem:s7], [sflag:$0xB], $0x4000, $0x38;
	[tilespmem:$0x18080] =	vst v63  }
0x5a: {  	s29 =	sadd.s32 $0x4000, s26;
	_ =	swait.ge [sflag:s8], $0x4000  }
0x5b: {  	s0 =	sand.u32 $0x7FF800, s29;
	[sflag:s8] =	ssyncset.done $0x0  }
0x5c: {  	s0 =	sadd.s32 s3, s0;
	[sflag:s8] =	ssyncadd.s32 $0xFFFFC000  }
0x5d: {  	[tilespmem:s11], [sflag:$0x3] =	stream.linear.gather [hbm4b:s0+s2], $0x4000, $0x38;
	[tilespmem:$0x18080] =	vst v63  }
0x5e: {  	_ =	swait.ge [sflag:s19], $0x4000  }
0x5f: {  	[sflag:s19] =	ssyncset.done $0x0  }
0x60: {  	s30 =	rddreg [dreg:$0x9];
	[sflag:s19] =	ssyncadd.s32 $0xFFFFC000  }
0x61: {  	[hbm4b:s30+s2] =	stream.linear.scatter [tilespmem:s18], [sflag:$0xC], $0x4000, $0x38;
	[tilespmem:$0x18080] =	vst v63  }
0x62: {  	s1 =	sadd.s32 $0x4800, s26;
	_ =	swait.ge [sflag:s6], $0x4000  }
0x63: {  	s0 =	sand.u32 $0x7FF800, s1;
	[sflag:s6] =	ssyncset.done $0x0  }
0x64: {  	s0 =	sadd.s32 s3, s0;
	[sflag:s6] =	ssyncadd.s32 $0xFFFFC000  }
0x65: {  	[tilespmem:s31], [sflag:$0x4] =	stream.linear.gather [hbm4b:s0+s2], $0x4000, $0x38;
	[tilespmem:$0x18080] =	vst v63  }
0x66: {  	_ =	swait.ge [sflag:s15], $0x4000  }
0x67: {  	[sflag:s15] =	ssyncset.done $0x0  }
0x68: {  	s20 =	rddreg [dreg:$0xa];
	[sflag:s15] =	ssyncadd.s32 $0xFFFFC000  }
0x69: {  	[hbm4b:s20+s2] =	stream.linear.scatter [tilespmem:s16], [sflag:$0x7], $0x4000, $0x38;
	[tilespmem:$0x18080] =	vst v63  }
0x6a: {  	s22 =	sadd.s32 $0x5000, s26;
	_ =	swait.ge [sflag:s24], $0x4000  }
0x6b: {  	s0 =	sand.u32 $0x7FF800, s22;
	[sflag:s24] =	ssyncset.done $0x0  }
0x6c: {  	s0 =	sadd.s32 s3, s0;
	[sflag:s24] =	ssyncadd.s32 $0xFFFFC000  }
0x6d: {  	[tilespmem:s7], [sflag:$0x5] =	stream.linear.gather [hbm4b:s0+s2], $0x4000, $0x38;
	[tilespmem:$0x18080] =	vst v63  }
0x6e: {  	_ =	swait.ge [sflag:s17], $0x4000  }
0x6f: {  	[sflag:s17] =	ssyncset.done $0x0  }
0x70: {  	s29 =	rddreg [dreg:$0xb];
	[sflag:s17] =	ssyncadd.s32 $0xFFFFC000  }
0x71: {  	[hbm4b:s29+s2] =	stream.linear.scatter [tilespmem:s13], [sflag:$0x8], $0x4000, $0x38;
	[tilespmem:$0x18080] =	vst v63  }
0x72: {  	s30 =	sadd.s32 $0x5800, s26;
	_ =	swait.ge [sflag:s5], $0x4000  }
0x73: {  	s0 =	sand.u32 $0x7FF800, s30;
	[sflag:s5] =	ssyncset.done $0x0  }
0x74: {  	s0 =	sadd.s32 s3, s0;
	[sflag:s5] =	ssyncadd.s32 $0xFFFFC000  }
0x75: {  	[tilespmem:s18], [sflag:$0x6] =	stream.linear.gather [hbm4b:s0+s2], $0x4000, $0x38;
	[tilespmem:$0x18080] =	vst v63  }
0x76: {  	_ =	swait.ge [sflag:s14], $0x4000  }
0x77: {  	[sflag:s14] =	ssyncset.done $0x0  }
0x78: {  	s1 =	rddreg [dreg:$0xc];
	[sflag:s14] =	ssyncadd.s32 $0xFFFFC000  }
0x79: {  	[hbm4b:s1+s2] =	stream.linear.scatter [tilespmem:s11], [sflag:$0x9], $0x4000, $0x38;
	[tilespmem:$0x18080] =	vst v63  }
0x7a: {  	s20 =	sadd.s32 $0x6000, s26;
	_ =	swait.ge [sflag:s10], $0x4000  }
0x7b: {  	s0 =	sand.u32 $0x7FF800, s20;
	[sflag:s10] =	ssyncset.done $0x0  }
0x7c: {  	s0 =	sadd.s32 s3, s0;
	[sflag:s10] =	ssyncadd.s32 $0xFFFFC000  }
0x7d: {  	[tilespmem:s16], [sflag:$0x1] =	stream.linear.gather [hbm4b:s0+s2], $0x4000, $0x38;
	[tilespmem:$0x18080] =	vst v63  }
0x7e: {  	_ =	swait.ge [sflag:s12], $0x4000  }
0x7f: {  	[sflag:s12] =	ssyncset.done $0x0  }
0x80: {  	s22 =	rddreg [dreg:$0xd];
	[sflag:s12] =	ssyncadd.s32 $0xFFFFC000  }
0x81: {  	[hbm4b:s22+s2] =	stream.linear.scatter [tilespmem:s31], [sflag:$0xA], $0x4000, $0x38;
	[tilespmem:$0x18080] =	vst v63  }
0x82: {  	s29 =	sadd.s32 $0x6800, s26;
	_ =	swait.ge [sflag:s9], $0x4000  }
0x83: {  	s0 =	sand.u32 $0x7FF800, s29;
	[sflag:s9] =	ssyncset.done $0x0  }
0x84: {  	s0 =	sadd.s32 s3, s0;
	[sflag:s9] =	ssyncadd.s32 $0xFFFFC000  }
0x85: {  	[tilespmem:s13], [sflag:$0x2] =	stream.linear.gather [hbm4b:s0+s2], $0x4000, $0x38;
	[tilespmem:$0x18080] =	vst v63  }
0x86: {  	_ =	swait.ge [sflag:s21], $0x4000  }
0x87: {  	[sflag:s21] =	ssyncset.done $0x0  }
0x88: {  	s30 =	rddreg [dreg:$0xe];
	[sflag:s21] =	ssyncadd.s32 $0xFFFFC000  }
0x89: {  	[hbm4b:s30+s2] =	stream.linear.scatter [tilespmem:s7], [sflag:$0xB], $0x4000, $0x38;
	[tilespmem:$0x18080] =	vst v63  }
0x8a: {  	s1 =	sadd.s32 $0x7000, s26;
	_ =	swait.ge [sflag:s8], $0x4000  }
0x8b: {  	s0 =	sand.u32 $0x7FF800, s1;
	[sflag:s8] =	ssyncset.done $0x0  }
0x8c: {  	s0 =	sadd.s32 s3, s0;
	[sflag:s8] =	ssyncadd.s32 $0xFFFFC000  }
0x8d: {  	[tilespmem:s11], [sflag:$0x3] =	stream.linear.gather [hbm4b:s0+s2], $0x4000, $0x38;
	[tilespmem:$0x18080] =	vst v63  }
0x8e: {  	_ =	swait.ge [sflag:s19], $0x4000  }
0x8f: {  	[sflag:s19] =	ssyncset.done $0x0  }
0x90: {  	s7 =	rddreg [dreg:$0xf];
	[sflag:s19] =	ssyncadd.s32 $0xFFFFC000  }
0x91: {  	[hbm4b:s7+s2] =	stream.linear.scatter [tilespmem:s18], [sflag:$0xC], $0x4000, $0x38;
	[tilespmem:$0x18080] =	vst v63  }
0x92: {  	s20 =	sadd.s32 $0x7800, s26;
	_ =	swait.ge [sflag:s6], $0x4000  }
0x93: {  	s0 =	sand.u32 $0x7FF800, s20;
	[sflag:s6] =	ssyncset.done $0x0  }
0x94: {  	s0 =	sadd.s32 s3, s0;
	[sflag:s6] =	ssyncadd.s32 $0xFFFFC000  }
0x95: {  	[tilespmem:s31], [sflag:$0x4] =	stream.linear.gather [hbm4b:s0+s2], $0x4000, $0x38;
	[tilespmem:$0x18080] =	vst v63  }
0x96: {  	_ =	swait.ge [sflag:s15], $0x4000  }
0x97: {  	[sflag:s15] =	ssyncset.done $0x0  }
0x98: {  	s22 =	rddreg [dreg:$0x10];
	[sflag:s15] =	ssyncadd.s32 $0xFFFFC000  }
0x99: {  	[hbm4b:s22+s2] =	stream.linear.scatter [tilespmem:s16], [sflag:$0x7], $0x4000, $0x38;
	[tilespmem:$0x18080] =	vst v63  }
0x9a: {  	_ =	swait.ge [sflag:s17], $0x4000  }
0x9b: {  	[sflag:s17] =	ssyncset.done $0x0  }
0x9c: {  	s26 =	rddreg [dreg:$0x11];
	[sflag:s17] =	ssyncadd.s32 $0xFFFFC000  }
0x9d: {  	[hbm4b:s26+s2] =	stream.linear.scatter [tilespmem:s13], [sflag:$0x8], $0x4000, $0x38;
	[tilespmem:$0x18080] =	vst v63  }
0x9e: {  	_ =	swait.ge [sflag:s14], $0x4000  }
0x9f: {  	[sflag:s14] =	ssyncset.done $0x0  }
0xa0: {  	s29 =	rddreg [dreg:$0x12];
	[sflag:s14] =	ssyncadd.s32 $0xFFFFC000  }
0xa1: {  	[hbm4b:s29+s2] =	stream.linear.scatter [tilespmem:s11], [sflag:$0x9], $0x4000, $0x38;
	[tilespmem:$0x18080] =	vst v63  }
0xa2: {  	_ =	swait.ge [sflag:s12], $0x4000  }
0xa3: {  	[sflag:s12] =	ssyncset.done $0x0  }
0xa4: {  	s30 =	rddreg [dreg:$0x13];
	[sflag:s12] =	ssyncadd.s32 $0xFFFFC000  }
0xa5: {  	[hbm4b:s30+s2] =	stream.linear.scatter [tilespmem:s31], [sflag:$0xA], $0x4000, $0x38;
	[tilespmem:$0x18080] =	vst v63  }
0xa6: {  	_ =	swait.ge [sflag:s10], $0x4000  }
0xa7: {  	[sflag:s10] =	ssyncset.done $0x0  }
0xa8: {  	[sflag:s10] =	ssyncadd.s32 $0xFFFFC000  }
0xa9: {  	_ =	swait.ge [sflag:s9], $0x4000  }
0xaa: {  	[sflag:s9] =	ssyncset.done $0x0  }
0xab: {  	[sflag:s9] =	ssyncadd.s32 $0xFFFFC000  }
0xac: {  	_ =	swait.ge [sflag:s8], $0x4000  }
0xad: {  	[sflag:s8] =	ssyncset.done $0x0  }
0xae: {  	[sflag:s8] =	ssyncadd.s32 $0xFFFFC000  }
0xaf: {  	_ =	swait.ge [sflag:s6], $0x4000  }
0xb0: {  	[sflag:s6] =	ssyncset.done $0x0  }
0xb1: {  	p1 =	sne.s32 s25, $0x1;
	[sflag:s6] =	ssyncadd.s32 $0xFFFFC000  }
.Ltmp1:
0xb2: {  	_ =	swait.ge [sflag:s24], $0x4000;
	(pc) =	sbr.rel @!p1 .LBB2_2-.Ltmp1, $4  }
0xb3: {  	[sflag:s24] =	ssyncset.done $0x0  }
0xb4: {  	s25 =	sadd.s32 $0xFFFFFFFF, s25;
	[sflag:s24] =	ssyncadd.s32 $0xFFFFC000  }
0xb5: {  	p0 =	por $0x1, $0x1;
	_ =	swait.ge [sflag:s5], $0x4000;
	[dreg:$0x14] =	wrdreg s28  }
0xb6: {  	s7 =	simm.s32 $0x10080;
	s0 =	rddreg [dreg:$0x4];
	[sflag:s5] =	ssyncset.done $0x0  }
.LBB2_3:
0xb7: {  	[sflag:s5] =	ssyncadd.s32 $0xFFFFC000  }
0xb8: {  	[tilespmem:s2], [sflag:$0xD] =	stream.linear.gather [hbm4b:s0+s2], $0x80, $0x38;
	[tilespmem:$0x18080] =	vst v63  }
0xb9: {  	_ =	swait.ge [sflag:s4], $0x80  }
0xba: {  	[sflag:s4] =	ssyncset.done $0x0  }
0xbb: {  	[sflag:s4] =	ssyncadd.s32 $0xFFFFFF80  }
0xbc: {  	v0 =	vld [tilespmem:$0x0];
	_ =	sdelay $0x4  }
0xbd: {  	v0 =	vadd.s32 $0xFFFFF000, v0  }
0xbe: {  	vm0 =	vgt.s32 v0, $0x0  }
0xbf: {  	v0 =	vnsel vm0, $0x0, v0  }
0xc0: {  	v0 =	vmin.u32 v0, $0x1000  }
0xc1: {  	(v2sf) =	vpush v0, $0x0;
	_ =	sdelay $0xe  }
0xc2: {  	s26 =	spop (v2sf)  }
0xc3: {  	s1 =	sadd.s32 s23, s26;
	s0 =	sand.u32 $0x7, s26  }
0xc4: {  	p2 =	seq.s32 s1, $0x0;
	p3 =	sne.s32 s0, $0x0  }
0xc5: {  	p2 =	por !p2, !p3  }
0xc6: {  	s21 =	smov.u32 s23;
	s23 =	simm.s32 $0x1;
	p2 =	por !p2, !p2  }
0xc7: {  	s26 =	sshll.u32 s1, $0x8;
	s1 =	sshrl.u32 s1, $0x3;
	s23 =	simm.s32 @!p2 $0x0  }
0xc8: {  	s28 =	sadd.s32 $0x800, s26;
	s1 =	ssub.s32 s1, s23  }
0xc9: {  	s22 =	sadd.s32 $0x1000, s26;
	s24 =	sadd.s32 $0x1800, s26;
	s1 =	sshll.u32 s1, $0xB  }
0xca: {  	s29 =	sadd.s32 $0x2000, s26;
	s30 =	sadd.s32 $0x2800, s26;
	s1 =	sand.u32 $0x1FFFF800, s1  }
0xcb: {  	s19 =	sadd.s32 $0x5000, s26;
	s0 =	sand.u32 $0x7FF800, s28;
	s1 =	sadd.s32 s3, s1  }
0xcc: {  	[tilespmem:s16], [sflag:$0x1] =	stream.linear.gather [hbm4b:s1+s2], $0x4000, $0x38;
	[tilespmem:$0x18080] =	vst v63  }
0xcd: {  	s20 =	sadd.s32 $0x5800, s26;
	s22 =	sand.u32 $0x7FF800, s22;
	s0 =	sadd.s32 s3, s0  }
0xce: {  	[tilespmem:s13], [sflag:$0x2] =	stream.linear.gather [hbm4b:s0+s2], $0x4000, $0x38;
	[tilespmem:$0x18080] =	vst v63  }
0xcf: {  	s28 =	sand.u32 $0x7FF800, s24;
	s29 =	sand.u32 $0x7FF800, s29;
	s5 =	sadd.s32 s3, s22  }
0xd0: {  	[tilespmem:s11], [sflag:$0x3] =	stream.linear.gather [hbm4b:s5+s2], $0x4000, $0x38;
	[tilespmem:$0x18080] =	vst v63  }
0xd1: {  	s18 =	sand.u32 $0x7FF800, s30;
	s30 =	sadd.s32 $0x3800, s26;
	s28 =	sadd.s32 s3, s28  }
0xd2: {  	[tilespmem:s31], [sflag:$0x4] =	stream.linear.gather [hbm4b:s28+s2], $0x4000, $0x38;
	[tilespmem:$0x18080] =	vst v63  }
0xd3: {  	s23 =	sand.u32 $0x7FF800, s30;
	s16 =	sadd.s32 $0x4800, s26;
	_ =	swait.ge [sflag:s15], $0x4000  }
0xd4: {  	s1 =	sand.u32 $0x7FF800, s19;
	s19 =	simm.s32 $0x80;
	[sflag:s15] =	ssyncset.done $0x0  }
0xd5: {  	s0 =	sand.u32 $0x7FF800, s16;
	s30 =	rddreg [dreg:$0x14];
	[sflag:s15] =	ssyncadd.s32 $0xFFFFC000  }
0xd6: {  	[hbm4b:s30+s2] =	stream.linear.scatter [tilespmem:s19], [sflag:$0x7], $0x4000, $0x38;
	[tilespmem:$0x18080] =	vst v63  }
0xd7: {  	s16 =	simm.s32 $0x4080;
	s5 =	sadd.s32 s3, s29;
	s31 =	sand.u32 $0x7FF800, s20  }
0xd8: {  	[tilespmem:s7], [sflag:$0x5] =	stream.linear.gather [hbm4b:s5+s2], $0x4000, $0x38;
	[tilespmem:$0x18080] =	vst v63  }
0xd9: {  	s28 =	sadd.s32 $0x6000, s26;
	s20 =	sadd.s32 $0x6800, s26;
	_ =	swait.ge [sflag:s17], $0x4000  }
0xda: {  	s29 =	sand.u32 $0x7FF800, s20;
	s20 =	sadd.s32 $0x7000, s26;
	[sflag:s17] =	ssyncset.done $0x0  }
0xdb: {  	s30 =	sand.u32 $0x7FF800, s28;
	s5 =	rddreg [dreg:$0x5];
	[sflag:s17] =	ssyncadd.s32 $0xFFFFC000  }
0xdc: {  	[hbm4b:s5+s2] =	stream.linear.scatter [tilespmem:s16], [sflag:$0x8], $0x4000, $0x38;
	[tilespmem:$0x18080] =	vst v63  }
0xdd: {  	s28 =	sand.u32 $0x7FF800, s20;
	s20 =	sadd.s32 s3, s18;
	s18 =	simm.s32 $0x14080  }
0xde: {  	[tilespmem:s18], [sflag:$0x6] =	stream.linear.gather [hbm4b:s20+s2], $0x4000, $0x38;
	[tilespmem:$0x18080] =	vst v63  }
0xdf: {  	s13 =	sadd.s32 $0x4000, s26;
	_ =	swait.ge [sflag:s14], $0x4000  }
0xe0: {  	s22 =	sand.u32 $0x7FF800, s13;
	[sflag:s14] =	ssyncset.done $0x0  }
0xe1: {  	s13 =	simm.s32 $0x8080;
	s20 =	rddreg [dreg:$0x6];
	[sflag:s14] =	ssyncadd.s32 $0xFFFFC000  }
0xe2: {  	[hbm4b:s20+s2] =	stream.linear.scatter [tilespmem:s13], [sflag:$0x9], $0x4000, $0x38;
	[tilespmem:$0x18080] =	vst v63  }
0xe3: {  	s4 =	sadd.s32 $0x3000, s26;
	_ =	swait.ge [sflag:s10], $0x4000  }
0xe4: {  	s24 =	sand.u32 $0x7FF800, s4;
	[sflag:s10] =	ssyncset.done $0x0  }
0xe5: {  	s20 =	sadd.s32 s3, s24;
	[sflag:s10] =	ssyncadd.s32 $0xFFFFC000  }
0xe6: {  	[tilespmem:s19], [sflag:$0x1] =	stream.linear.gather [hbm4b:s20+s2], $0x4000, $0x38;
	[tilespmem:$0x18080] =	vst v63  }
0xe7: {  	_ =	swait.ge [sflag:s12], $0x4000  }
0xe8: {  	[sflag:s12] =	ssyncset.done $0x0  }
0xe9: {  	s11 =	simm.s32 $0xC080;
	s20 =	rddreg [dreg:$0x7];
	[sflag:s12] =	ssyncadd.s32 $0xFFFFC000  }
0xea: {  	[hbm4b:s20+s2] =	stream.linear.scatter [tilespmem:s11], [sflag:$0xA], $0x4000, $0x38;
	[tilespmem:$0x18080] =	vst v63  }
0xeb: {  	_ =	swait.ge [sflag:s9], $0x4000  }
0xec: {  	s20 =	sadd.s32 s3, s23;
	[sflag:s9] =	ssyncset.done $0x0  }
0xed: {  	s23 =	smov.u32 s21;
	s21 =	simm.s32 $0x5;
	[sflag:s9] =	ssyncadd.s32 $0xFFFFC000  }
0xee: {  	[tilespmem:s16], [sflag:$0x2] =	stream.linear.gather [hbm4b:s20+s2], $0x4000, $0x38;
	[tilespmem:$0x18080] =	vst v63  }
0xef: {  	_ =	swait.ge [sflag:s21], $0x4000  }
0xf0: {  	[sflag:s21] =	ssyncset.done $0x0  }
0xf1: {  	s20 =	rddreg [dreg:$0x8];
	[sflag:s21] =	ssyncadd.s32 $0xFFFFC000  }
0xf2: {  	[hbm4b:s20+s2] =	stream.linear.scatter [tilespmem:s7], [sflag:$0xB], $0x4000, $0x38;
	[tilespmem:$0x18080] =	vst v63  }
0xf3: {  	_ =	swait.ge [sflag:s8], $0x4000  }
0xf4: {  	[sflag:s8] =	ssyncset.done $0x0  }
0xf5: {  	s22 =	sadd.s32 s3, s22;
	s19 =	simm.s32 $0x6;
	[sflag:s8] =	ssyncadd.s32 $0xFFFFC000  }
0xf6: {  	[tilespmem:s13], [sflag:$0x3] =	stream.linear.gather [hbm4b:s22+s2], $0x4000, $0x38;
	[tilespmem:$0x18080] =	vst v63  }
0xf7: {  	_ =	swait.ge [sflag:s19], $0x4000  }
0xf8: {  	[sflag:s19] =	ssyncset.done $0x0  }
0xf9: {  	s20 =	rddreg [dreg:$0x9];
	[sflag:s19] =	ssyncadd.s32 $0xFFFFC000  }
0xfa: {  	[hbm4b:s20+s2] =	stream.linear.scatter [tilespmem:s18], [sflag:$0xC], $0x4000, $0x38;
	[tilespmem:$0x18080] =	vst v63  }
0xfb: {  	_ =	swait.ge [sflag:s6], $0x4000  }
0xfc: {  	[sflag:s6] =	ssyncset.done $0x0  }
0xfd: {  	s0 =	sadd.s32 s3, s0;
	[sflag:s6] =	ssyncadd.s32 $0xFFFFC000  }
0xfe: {  	[tilespmem:s11], [sflag:$0x4] =	stream.linear.gather [hbm4b:s0+s2], $0x4000, $0x38;
	[tilespmem:$0x18080] =	vst v63  }
0xff: {  	_ =	swait.ge [sflag:s15], $0x4000  }
0x100: {  	s24 =	simm.s32 $0xB;
	[sflag:s15] =	ssyncset.done $0x0  }
0x101: {  	s16 =	simm.s32 $0x80;
	s22 =	rddreg [dreg:$0xa];
	[sflag:s15] =	ssyncadd.s32 $0xFFFFC000  }
0x102: {  	[hbm4b:s22+s2] =	stream.linear.scatter [tilespmem:s16], [sflag:$0x7], $0x4000, $0x38;
	[tilespmem:$0x18080] =	vst v63  }
0x103: {  	_ =	swait.ge [sflag:s24], $0x4000  }
0x104: {  	[sflag:s24] =	ssyncset.done $0x0  }
0x105: {  	s1 =	sadd.s32 s3, s1;
	[sflag:s24] =	ssyncadd.s32 $0xFFFFC000  }
0x106: {  	[tilespmem:s7], [sflag:$0x5] =	stream.linear.gather [hbm4b:s1+s2], $0x4000, $0x38;
	[tilespmem:$0x18080] =	vst v63  }
0x107: {  	_ =	swait.ge [sflag:s17], $0x4000  }
0x108: {  	s5 =	simm.s32 $0xC;
	[sflag:s17] =	ssyncset.done $0x0  }
0x109: {  	s13 =	simm.s32 $0x4080;
	s20 =	rddreg [dreg:$0xb];
	[sflag:s17] =	ssyncadd.s32 $0xFFFFC000  }
0x10a: {  	[hbm4b:s20+s2] =	stream.linear.scatter [tilespmem:s13], [sflag:$0x8], $0x4000, $0x38;
	[tilespmem:$0x18080] =	vst v63  }
0x10b: {  	_ =	swait.ge [sflag:s5], $0x4000  }
0x10c: {  	[sflag:s5] =	ssyncset.done $0x0  }
0x10d: {  	s22 =	sadd.s32 s3, s31;
	[sflag:s5] =	ssyncadd.s32 $0xFFFFC000  }
0x10e: {  	[tilespmem:s18], [sflag:$0x6] =	stream.linear.gather [hbm4b:s22+s2], $0x4000, $0x38;
	[tilespmem:$0x18080] =	vst v63  }
0x10f: {  	_ =	swait.ge [sflag:s14], $0x4000  }
0x110: {  	[sflag:s14] =	ssyncset.done $0x0  }
0x111: {  	s11 =	simm.s32 $0x8080;
	s1 =	rddreg [dreg:$0xc];
	[sflag:s14] =	ssyncadd.s32 $0xFFFFC000  }
0x112: {  	[hbm4b:s1+s2] =	stream.linear.scatter [tilespmem:s11], [sflag:$0x9], $0x4000, $0x38;
	[tilespmem:$0x18080] =	vst v63  }
0x113: {  	_ =	swait.ge [sflag:s10], $0x4000  }
0x114: {  	[sflag:s10] =	ssyncset.done $0x0  }
0x115: {  	s20 =	sadd.s32 s3, s30;
	[sflag:s10] =	ssyncadd.s32 $0xFFFFC000  }
0x116: {  	[tilespmem:s16], [sflag:$0x1] =	stream.linear.gather [hbm4b:s20+s2], $0x4000, $0x38;
	[tilespmem:$0x18080] =	vst v63  }
0x117: {  	_ =	swait.ge [sflag:s12], $0x4000  }
0x118: {  	[sflag:s12] =	ssyncset.done $0x0  }
0x119: {  	s31 =	simm.s32 $0xC080;
	s22 =	rddreg [dreg:$0xd];
	[sflag:s12] =	ssyncadd.s32 $0xFFFFC000  }
0x11a: {  	[hbm4b:s22+s2] =	stream.linear.scatter [tilespmem:s31], [sflag:$0xA], $0x4000, $0x38;
	[tilespmem:$0x18080] =	vst v63  }
0x11b: {  	_ =	swait.ge [sflag:s9], $0x4000  }
0x11c: {  	[sflag:s9] =	ssyncset.done $0x0  }
0x11d: {  	s29 =	sadd.s32 s3, s29;
	[sflag:s9] =	ssyncadd.s32 $0xFFFFC000  }
0x11e: {  	[tilespmem:s13], [sflag:$0x2] =	stream.linear.gather [hbm4b:s29+s2], $0x4000, $0x38;
	[tilespmem:$0x18080] =	vst v63  }
0x11f: {  	_ =	swait.ge [sflag:s21], $0x4000  }
0x120: {  	[sflag:s21] =	ssyncset.done $0x0  }
0x121: {  	s30 =	rddreg [dreg:$0xe];
	[sflag:s21] =	ssyncadd.s32 $0xFFFFC000  }
0x122: {  	[hbm4b:s30+s2] =	stream.linear.scatter [tilespmem:s7], [sflag:$0xB], $0x4000, $0x38;
	[tilespmem:$0x18080] =	vst v63  }
0x123: {  	_ =	swait.ge [sflag:s8], $0x4000  }
0x124: {  	[sflag:s8] =	ssyncset.done $0x0  }
0x125: {  	s1 =	sadd.s32 s3, s28;
	[sflag:s8] =	ssyncadd.s32 $0xFFFFC000  }
0x126: {  	[tilespmem:s11], [sflag:$0x3] =	stream.linear.gather [hbm4b:s1+s2], $0x4000, $0x38;
	[tilespmem:$0x18080] =	vst v63  }
0x127: {  	_ =	swait.ge [sflag:s19], $0x4000  }
0x128: {  	[sflag:s19] =	ssyncset.done $0x0  }
0x129: {  	s20 =	rddreg [dreg:$0xf];
	[sflag:s19] =	ssyncadd.s32 $0xFFFFC000  }
0x12a: {  	[hbm4b:s20+s2] =	stream.linear.scatter [tilespmem:s18], [sflag:$0xC], $0x4000, $0x38;
	[tilespmem:$0x18080] =	vst v63  }
0x12b: {  	s26 =	sadd.s32 $0x7800, s26;
	_ =	swait.ge [sflag:s6], $0x4000  }
0x12c: {  	s26 =	sand.u32 $0x7FF800, s26;
	[sflag:s6] =	ssyncset.done $0x0  }
0x12d: {  	s22 =	sadd.s32 s3, s26;
	[sflag:s6] =	ssyncadd.s32 $0xFFFFC000  }
0x12e: {  	[tilespmem:s31], [sflag:$0x4] =	stream.linear.gather [hbm4b:s22+s2], $0x4000, $0x38;
	[tilespmem:$0x18080] =	vst v63  }
0x12f: {  	_ =	swait.ge [sflag:s15], $0x4000  }
0x130: {  	[sflag:s15] =	ssyncset.done $0x0  }
0x131: {  	s26 =	rddreg [dreg:$0x10];
	[sflag:s15] =	ssyncadd.s32 $0xFFFFC000  }
0x132: {  	[hbm4b:s26+s2] =	stream.linear.scatter [tilespmem:s16], [sflag:$0x7], $0x4000, $0x38;
	[tilespmem:$0x18080] =	vst v63  }
0x133: {  	_ =	swait.ge [sflag:s17], $0x4000  }
0x134: {  	[sflag:s17] =	ssyncset.done $0x0  }
0x135: {  	s28 =	rddreg [dreg:$0x11];
	[sflag:s17] =	ssyncadd.s32 $0xFFFFC000  }
0x136: {  	[hbm4b:s28+s2] =	stream.linear.scatter [tilespmem:s13], [sflag:$0x8], $0x4000, $0x38;
	[tilespmem:$0x18080] =	vst v63  }
0x137: {  	_ =	swait.ge [sflag:s14], $0x4000  }
0x138: {  	[sflag:s14] =	ssyncset.done $0x0  }
0x139: {  	s29 =	rddreg [dreg:$0x12];
	[sflag:s14] =	ssyncadd.s32 $0xFFFFC000  }
0x13a: {  	[hbm4b:s29+s2] =	stream.linear.scatter [tilespmem:s11], [sflag:$0x9], $0x4000, $0x38;
	[tilespmem:$0x18080] =	vst v63  }
0x13b: {  	_ =	swait.ge [sflag:s12], $0x4000  }
0x13c: {  	[sflag:s12] =	ssyncset.done $0x0  }
0x13d: {  	s30 =	rddreg [dreg:$0x13];
	[sflag:s12] =	ssyncadd.s32 $0xFFFFC000  }
0x13e: {  	[hbm4b:s30+s2] =	stream.linear.scatter [tilespmem:s31], [sflag:$0xA], $0x4000, $0x38;
	[tilespmem:$0x18080] =	vst v63  }
0x13f: {  	_ =	swait.ge [sflag:s10], $0x4000  }
0x140: {  	[sflag:s10] =	ssyncset.done $0x0  }
0x141: {  	[sflag:s10] =	ssyncadd.s32 $0xFFFFC000  }
0x142: {  	_ =	swait.ge [sflag:s9], $0x4000  }
0x143: {  	[sflag:s9] =	ssyncset.done $0x0  }
0x144: {  	[sflag:s9] =	ssyncadd.s32 $0xFFFFC000  }
0x145: {  	_ =	swait.ge [sflag:s8], $0x4000  }
0x146: {  	[sflag:s8] =	ssyncset.done $0x0  }
0x147: {  	[sflag:s8] =	ssyncadd.s32 $0xFFFFC000  }
0x148: {  	_ =	swait.ge [sflag:s6], $0x4000  }
0x149: {  	[sflag:s6] =	ssyncset.done $0x0  }
0x14a: {  	p1 =	sne.s32 s25, $0x1;
	[sflag:s6] =	ssyncadd.s32 $0xFFFFC000  }
.Ltmp2:
0x14b: {  	_ =	swait.ge [sflag:s24], $0x4000;
	(pc) =	sbr.rel @p1 .LBB2_3-.Ltmp2, $4  }
0x14c: {  	[sflag:s24] =	ssyncset.done $0x0  }
0x14d: {  	[sflag:s24] =	ssyncadd.s32 $0xFFFFC000  }
0x14e: {  	s25 =	sadd.s32 $0xFFFFFFFF, s25;
	_ =	swait.ge [sflag:s5], $0x4000  }
0x14f: {  	s4 =	simm.s32 $0xD;
	s0 =	rddreg [dreg:$0x4];
	[sflag:s5] =	ssyncset.done $0x0  }
0x150: {  	s18 =	stileid.u32;
	s20 =	rddreg [dreg:$0x3]  }
0x151: {  	s22 =	simm.s32 $0x14080;
	s7 =	simm.s32 $0x10080;
	s28 =	rddreg [dreg:$0x14]  }
.LBB2_5:
0x152: {  	[sflag:s5] =	ssyncadd.s32 @p0 $0xFFFFC000  }
0x153: {  	[tilespmem:s2], [sflag:$0xD] =	stream.linear.gather [hbm4b:s0+s2], $0x80, $0x38;
	[tilespmem:$0x18080] =	vst v63  }
0x154: {  	_ =	swait.ge [sflag:s4], $0x80  }
0x155: {  	[sflag:s4] =	ssyncset.done $0x0  }
0x156: {  	[sflag:s4] =	ssyncadd.s32 $0xFFFFFF80  }
0x157: {  	v0 =	vld [tilespmem:$0x0];
	_ =	sdelay $0x4  }
0x158: {  	v0 =	vadd.s32 $0xFFFFF000, v0  }
0x159: {  	vm0 =	vgt.s32 v0, $0x0  }
0x15a: {  	v0 =	vnsel vm0, $0x0, v0  }
0x15b: {  	v0 =	vmin.u32 v0, $0x1000  }
0x15c: {  	(v2sf) =	vpush v0, $0x0;
	_ =	sdelay $0xe  }
0x15d: {  	s29 =	spop (v2sf)  }
0x15e: {  	s1 =	sadd.s32 s23, s29;
	s0 =	sand.u32 $0x7, s29  }
0x15f: {  	p6 =	seq.s32 s1, $0x0;
	p1 =	sne.s32 s0, $0x0  }
0x160: {  	p0 =	por !p6, !p1  }
0x161: {  	s0 =	simm.s32 $0x1;
	p0 =	por !p0, !p0  }
0x162: {  	s30 =	sshrl.u32 s1, $0x3;
	s0 =	simm.s32 @!p0 $0x0  }
0x163: {  	s0 =	ssub.s32 s30, s0  }
0x164: {  	s0 =	sshll.u32 s0, $0xB  }
0x165: {  	s23 =	sshll.u32 s1, $0x8;
	s0 =	sand.u32 $0x1FFFF800, s0  }
0x166: {  	s1 =	sadd.s32 $0x800, s23;
	s0 =	sadd.s32 s3, s0  }
0x167: {  	[tilespmem:s16], [sflag:$0x1] =	stream.linear.gather [hbm4b:s0+s2], $0x4000, $0x38;
	[tilespmem:$0x18080] =	vst v63  }
0x168: {  	s0 =	sand.u32 $0x7FF800, s1  }
0x169: {  	s4 =	sadd.s32 $0x1000, s23;
	s0 =	sadd.s32 s3, s0  }
0x16a: {  	[tilespmem:s13], [sflag:$0x2] =	stream.linear.gather [hbm4b:s0+s2], $0x4000, $0x38;
	[tilespmem:$0x18080] =	vst v63  }
0x16b: {  	s0 =	sand.u32 $0x7FF800, s4  }
0x16c: {  	s25 =	sadd.s32 $0x1800, s23;
	s0 =	sadd.s32 s3, s0  }
0x16d: {  	[tilespmem:s11], [sflag:$0x3] =	stream.linear.gather [hbm4b:s0+s2], $0x4000, $0x38;
	[tilespmem:$0x18080] =	vst v63  }
0x16e: {  	s0 =	sand.u32 $0x7FF800, s25  }
0x16f: {  	s0 =	sadd.s32 s3, s0  }
0x170: {  	[tilespmem:s31], [sflag:$0x4] =	stream.linear.gather [hbm4b:s0+s2], $0x4000, $0x38;
	[tilespmem:$0x18080] =	vst v63  }
0x171: {  	_ =	swait.ge [sflag:s15], $0x4000  }
0x172: {  	s26 =	sadd.s32 $0x2000, s23;
	[sflag:s15] =	ssyncset.done $0x0  }
0x173: {  	s0 =	sand.u32 $0x7FF800, s26;
	[sflag:s15] =	ssyncadd.s32 $0xFFFFC000  }
0x174: {  	[hbm4b:s28+s2] =	stream.linear.scatter [tilespmem:s16], [sflag:$0x7], $0x4000, $0x38;
	[tilespmem:$0x18080] =	vst v63  }
0x175: {  	s0 =	sadd.s32 s3, s0  }
0x176: {  	[tilespmem:s7], [sflag:$0x5] =	stream.linear.gather [hbm4b:s0+s2], $0x4000, $0x38;
	[tilespmem:$0x18080] =	vst v63  }
0x177: {  	_ =	swait.ge [sflag:s17], $0x4000  }
0x178: {  	s29 =	sadd.s32 $0x2800, s23;
	[sflag:s17] =	ssyncset.done $0x0  }
0x179: {  	s0 =	sand.u32 $0x7FF800, s29;
	s28 =	rddreg [dreg:$0x5];
	[sflag:s17] =	ssyncadd.s32 $0xFFFFC000  }
0x17a: {  	[hbm4b:s28+s2] =	stream.linear.scatter [tilespmem:s13], [sflag:$0x8], $0x4000, $0x38;
	[tilespmem:$0x18080] =	vst v63  }
0x17b: {  	s0 =	sadd.s32 s3, s0  }
0x17c: {  	[tilespmem:s22], [sflag:$0x6] =	stream.linear.gather [hbm4b:s0+s2], $0x4000, $0x38;
	[tilespmem:$0x18080] =	vst v63  }
0x17d: {  	_ =	swait.ge [sflag:s14], $0x4000  }
0x17e: {  	[sflag:s14] =	ssyncset.done $0x0  }
0x17f: {  	s30 =	rddreg [dreg:$0x6];
	[sflag:s14] =	ssyncadd.s32 $0xFFFFC000  }
0x180: {  	[hbm4b:s30+s2] =	stream.linear.scatter [tilespmem:s11], [sflag:$0x9], $0x4000, $0x38;
	[tilespmem:$0x18080] =	vst v63  }
0x181: {  	s1 =	sadd.s32 $0x3000, s23;
	_ =	swait.ge [sflag:s10], $0x4000  }
0x182: {  	s0 =	sand.u32 $0x7FF800, s1;
	[sflag:s10] =	ssyncset.done $0x0  }
0x183: {  	s0 =	sadd.s32 s3, s0;
	[sflag:s10] =	ssyncadd.s32 $0xFFFFC000  }
0x184: {  	[tilespmem:s16], [sflag:$0x1] =	stream.linear.gather [hbm4b:s0+s2], $0x4000, $0x38;
	[tilespmem:$0x18080] =	vst v63  }
0x185: {  	_ =	swait.ge [sflag:s12], $0x4000  }
0x186: {  	[sflag:s12] =	ssyncset.done $0x0  }
0x187: {  	s4 =	rddreg [dreg:$0x7];
	[sflag:s12] =	ssyncadd.s32 $0xFFFFC000  }
0x188: {  	[hbm4b:s4+s2] =	stream.linear.scatter [tilespmem:s31], [sflag:$0xA], $0x4000, $0x38;
	[tilespmem:$0x18080] =	vst v63  }
0x189: {  	s25 =	sadd.s32 $0x3800, s23;
	_ =	swait.ge [sflag:s9], $0x4000  }
0x18a: {  	s0 =	sand.u32 $0x7FF800, s25;
	[sflag:s9] =	ssyncset.done $0x0  }
0x18b: {  	s0 =	sadd.s32 s3, s0;
	[sflag:s9] =	ssyncadd.s32 $0xFFFFC000  }
0x18c: {  	[tilespmem:s13], [sflag:$0x2] =	stream.linear.gather [hbm4b:s0+s2], $0x4000, $0x38;
	[tilespmem:$0x18080] =	vst v63  }
0x18d: {  	_ =	swait.ge [sflag:s21], $0x4000  }
0x18e: {  	[sflag:s21] =	ssyncset.done $0x0  }
0x18f: {  	s26 =	rddreg [dreg:$0x8];
	[sflag:s21] =	ssyncadd.s32 $0xFFFFC000  }
0x190: {  	[hbm4b:s26+s2] =	stream.linear.scatter [tilespmem:s7], [sflag:$0xB], $0x4000, $0x38;
	[tilespmem:$0x18080] =	vst v63  }
0x191: {  	s28 =	sadd.s32 $0x4000, s23;
	_ =	swait.ge [sflag:s8], $0x4000  }
0x192: {  	s0 =	sand.u32 $0x7FF800, s28;
	[sflag:s8] =	ssyncset.done $0x0  }
0x193: {  	s0 =	sadd.s32 s3, s0;
	[sflag:s8] =	ssyncadd.s32 $0xFFFFC000  }
0x194: {  	[tilespmem:s11], [sflag:$0x3] =	stream.linear.gather [hbm4b:s0+s2], $0x4000, $0x38;
	[tilespmem:$0x18080] =	vst v63  }
0x195: {  	_ =	swait.ge [sflag:s19], $0x4000  }
0x196: {  	[sflag:s19] =	ssyncset.done $0x0  }
0x197: {  	s29 =	rddreg [dreg:$0x9];
	[sflag:s19] =	ssyncadd.s32 $0xFFFFC000  }
0x198: {  	[hbm4b:s29+s2] =	stream.linear.scatter [tilespmem:s22], [sflag:$0xC], $0x4000, $0x38;
	[tilespmem:$0x18080] =	vst v63  }
0x199: {  	s30 =	sadd.s32 $0x4800, s23;
	_ =	swait.ge [sflag:s6], $0x4000  }
0x19a: {  	s0 =	sand.u32 $0x7FF800, s30;
	[sflag:s6] =	ssyncset.done $0x0  }
0x19b: {  	s0 =	sadd.s32 s3, s0;
	[sflag:s6] =	ssyncadd.s32 $0xFFFFC000  }
0x19c: {  	[tilespmem:s31], [sflag:$0x4] =	stream.linear.gather [hbm4b:s0+s2], $0x4000, $0x38;
	[tilespmem:$0x18080] =	vst v63  }
0x19d: {  	_ =	swait.ge [sflag:s15], $0x4000  }
0x19e: {  	[sflag:s15] =	ssyncset.done $0x0  }
0x19f: {  	s1 =	rddreg [dreg:$0xa];
	[sflag:s15] =	ssyncadd.s32 $0xFFFFC000  }
0x1a0: {  	[hbm4b:s1+s2] =	stream.linear.scatter [tilespmem:s16], [sflag:$0x7], $0x4000, $0x38;
	[tilespmem:$0x18080] =	vst v63  }
0x1a1: {  	s4 =	sadd.s32 $0x5000, s23;
	_ =	swait.ge [sflag:s24], $0x4000  }
0x1a2: {  	s0 =	sand.u32 $0x7FF800, s4;
	[sflag:s24] =	ssyncset.done $0x0  }
0x1a3: {  	s0 =	sadd.s32 s3, s0;
	[sflag:s24] =	ssyncadd.s32 $0xFFFFC000  }
0x1a4: {  	[tilespmem:s7], [sflag:$0x5] =	stream.linear.gather [hbm4b:s0+s2], $0x4000, $0x38;
	[tilespmem:$0x18080] =	vst v63  }
0x1a5: {  	_ =	swait.ge [sflag:s17], $0x4000  }
0x1a6: {  	[sflag:s17] =	ssyncset.done $0x0  }
0x1a7: {  	s25 =	rddreg [dreg:$0xb];
	[sflag:s17] =	ssyncadd.s32 $0xFFFFC000  }
0x1a8: {  	[hbm4b:s25+s2] =	stream.linear.scatter [tilespmem:s13], [sflag:$0x8], $0x4000, $0x38;
	[tilespmem:$0x18080] =	vst v63  }
0x1a9: {  	s26 =	sadd.s32 $0x5800, s23;
	_ =	swait.ge [sflag:s5], $0x4000  }
0x1aa: {  	s0 =	sand.u32 $0x7FF800, s26;
	[sflag:s5] =	ssyncset.done $0x0  }
0x1ab: {  	s0 =	sadd.s32 s3, s0;
	[sflag:s5] =	ssyncadd.s32 $0xFFFFC000  }
0x1ac: {  	[tilespmem:s22], [sflag:$0x6] =	stream.linear.gather [hbm4b:s0+s2], $0x4000, $0x38;
	[tilespmem:$0x18080] =	vst v63  }
0x1ad: {  	_ =	swait.ge [sflag:s14], $0x4000  }
0x1ae: {  	[sflag:s14] =	ssyncset.done $0x0  }
0x1af: {  	s28 =	rddreg [dreg:$0xc];
	[sflag:s14] =	ssyncadd.s32 $0xFFFFC000  }
0x1b0: {  	[hbm4b:s28+s2] =	stream.linear.scatter [tilespmem:s11], [sflag:$0x9], $0x4000, $0x38;
	[tilespmem:$0x18080] =	vst v63  }
0x1b1: {  	s29 =	sadd.s32 $0x6000, s23;
	_ =	swait.ge [sflag:s10], $0x4000  }
0x1b2: {  	s0 =	sand.u32 $0x7FF800, s29;
	[sflag:s10] =	ssyncset.done $0x0  }
0x1b3: {  	s0 =	sadd.s32 s3, s0;
	[sflag:s10] =	ssyncadd.s32 $0xFFFFC000  }
0x1b4: {  	[tilespmem:s16], [sflag:$0x1] =	stream.linear.gather [hbm4b:s0+s2], $0x4000, $0x38;
	[tilespmem:$0x18080] =	vst v63  }
0x1b5: {  	_ =	swait.ge [sflag:s12], $0x4000  }
0x1b6: {  	[sflag:s12] =	ssyncset.done $0x0  }
0x1b7: {  	s30 =	rddreg [dreg:$0xd];
	[sflag:s12] =	ssyncadd.s32 $0xFFFFC000  }
0x1b8: {  	[hbm4b:s30+s2] =	stream.linear.scatter [tilespmem:s31], [sflag:$0xA], $0x4000, $0x38;
	[tilespmem:$0x18080] =	vst v63  }
0x1b9: {  	s1 =	sadd.s32 $0x6800, s23;
	_ =	swait.ge [sflag:s9], $0x4000  }
0x1ba: {  	s0 =	sand.u32 $0x7FF800, s1;
	[sflag:s9] =	ssyncset.done $0x0  }
0x1bb: {  	s0 =	sadd.s32 s3, s0;
	[sflag:s9] =	ssyncadd.s32 $0xFFFFC000  }
0x1bc: {  	[tilespmem:s13], [sflag:$0x2] =	stream.linear.gather [hbm4b:s0+s2], $0x4000, $0x38;
	[tilespmem:$0x18080] =	vst v63  }
0x1bd: {  	_ =	swait.ge [sflag:s21], $0x4000  }
0x1be: {  	[sflag:s21] =	ssyncset.done $0x0  }
0x1bf: {  	s4 =	rddreg [dreg:$0xe];
	[sflag:s21] =	ssyncadd.s32 $0xFFFFC000  }
0x1c0: {  	[hbm4b:s4+s2] =	stream.linear.scatter [tilespmem:s7], [sflag:$0xB], $0x4000, $0x38;
	[tilespmem:$0x18080] =	vst v63  }
0x1c1: {  	s7 =	sadd.s32 $0x7000, s23;
	_ =	swait.ge [sflag:s8], $0x4000  }
0x1c2: {  	s0 =	sand.u32 $0x7FF800, s7;
	[sflag:s8] =	ssyncset.done $0x0  }
0x1c3: {  	s0 =	sadd.s32 s3, s0;
	[sflag:s8] =	ssyncadd.s32 $0xFFFFC000  }
0x1c4: {  	[tilespmem:s11], [sflag:$0x3] =	stream.linear.gather [hbm4b:s0+s2], $0x4000, $0x38;
	[tilespmem:$0x18080] =	vst v63  }
0x1c5: {  	_ =	swait.ge [sflag:s19], $0x4000  }
0x1c6: {  	[sflag:s19] =	ssyncset.done $0x0  }
0x1c7: {  	s21 =	rddreg [dreg:$0xf];
	[sflag:s19] =	ssyncadd.s32 $0xFFFFC000  }
0x1c8: {  	[hbm4b:s21+s2] =	stream.linear.scatter [tilespmem:s22], [sflag:$0xC], $0x4000, $0x38;
	[tilespmem:$0x18080] =	vst v63  }
0x1c9: {  	s25 =	sadd.s32 $0x7800, s23;
	_ =	swait.ge [sflag:s6], $0x4000  }
0x1ca: {  	s0 =	sand.u32 $0x7FF800, s25;
	[sflag:s6] =	ssyncset.done $0x0  }
0x1cb: {  	s0 =	sadd.s32 s3, s0;
	[sflag:s6] =	ssyncadd.s32 $0xFFFFC000  }
0x1cc: {  	[tilespmem:s31], [sflag:$0x4] =	stream.linear.gather [hbm4b:s0+s2], $0x4000, $0x38;
	[tilespmem:$0x18080] =	vst v63  }
0x1cd: {  	_ =	swait.ge [sflag:s15], $0x4000  }
0x1ce: {  	[sflag:s15] =	ssyncset.done $0x0  }
0x1cf: {  	s26 =	rddreg [dreg:$0x10];
	[sflag:s15] =	ssyncadd.s32 $0xFFFFC000  }
0x1d0: {  	[hbm4b:s26+s2] =	stream.linear.scatter [tilespmem:s16], [sflag:$0x7], $0x4000, $0x38;
	[tilespmem:$0x18080] =	vst v63  }
0x1d1: {  	_ =	swait.ge [sflag:s17], $0x4000  }
0x1d2: {  	[sflag:s17] =	ssyncset.done $0x0  }
0x1d3: {  	s28 =	rddreg [dreg:$0x11];
	[sflag:s17] =	ssyncadd.s32 $0xFFFFC000  }
0x1d4: {  	[hbm4b:s28+s2] =	stream.linear.scatter [tilespmem:s13], [sflag:$0x8], $0x4000, $0x38;
	[tilespmem:$0x18080] =	vst v63  }
0x1d5: {  	_ =	swait.ge [sflag:s14], $0x4000  }
0x1d6: {  	[sflag:s14] =	ssyncset.done $0x0  }
0x1d7: {  	s29 =	rddreg [dreg:$0x12];
	[sflag:s14] =	ssyncadd.s32 $0xFFFFC000  }
0x1d8: {  	[hbm4b:s29+s2] =	stream.linear.scatter [tilespmem:s11], [sflag:$0x9], $0x4000, $0x38;
	[tilespmem:$0x18080] =	vst v63  }
0x1d9: {  	_ =	swait.ge [sflag:s12], $0x4000  }
0x1da: {  	[sflag:s12] =	ssyncset.done $0x0  }
0x1db: {  	s30 =	rddreg [dreg:$0x13];
	[sflag:s12] =	ssyncadd.s32 $0xFFFFC000  }
0x1dc: {  	[hbm4b:s30+s2] =	stream.linear.scatter [tilespmem:s31], [sflag:$0xA], $0x4000, $0x38;
	[tilespmem:$0x18080] =	vst v63  }
0x1dd: {  	_ =	swait.ge [sflag:s10], $0x4000  }
0x1de: {  	[sflag:s10] =	ssyncset.done $0x0  }
0x1df: {  	[sflag:s10] =	ssyncadd.s32 $0xFFFFC000  }
0x1e0: {  	_ =	swait.ge [sflag:s9], $0x4000  }
0x1e1: {  	[sflag:s9] =	ssyncset.done $0x0  }
0x1e2: {  	[sflag:s9] =	ssyncadd.s32 $0xFFFFC000  }
0x1e3: {  	_ =	swait.ge [sflag:s8], $0x4000  }
0x1e4: {  	[sflag:s8] =	ssyncset.done $0x0  }
0x1e5: {  	[sflag:s8] =	ssyncadd.s32 $0xFFFFC000  }
0x1e6: {  	_ =	swait.ge [sflag:s6], $0x4000  }
0x1e7: {  	[sflag:s6] =	ssyncset.done $0x0  }
0x1e8: {  	[sflag:s6] =	ssyncadd.s32 $0xFFFFC000  }
0x1e9: {  	_ =	swait.ge [sflag:s24], $0x4000  }
0x1ea: {  	[sflag:s24] =	ssyncset.done $0x0  }
0x1eb: {  	[sflag:s24] =	ssyncadd.s32 $0xFFFFC000  }
0x1ec: {  	_ =	swait.ge [sflag:s5], $0x4000  }
0x1ed: {  	[sflag:s5] =	ssyncset.done $0x0  }
0x1ee: {  	[sflag:s5] =	ssyncadd.s32 $0xFFFFC000  }
0x1ef: {  	_ =	sfence.sel $0x180000  }
0x1f0: {  	[bflag:$0x0] =	sbarrier.arrive $0xFFFF  }
0x1f1: {  	p0 =	sne.s32 s18, $0x0;
	_ =	strace $0x90000047  }
0x1f2: {  	s0 =	sadd.s32 @!p0 $0x100000, s20;
	[bflag:$0x2] =	sbarrier.arrive $0xFFFF  }
0x1f3: {  	[sflag:s0] =	ssyncadd.tile.s32 @!p0 $0x1;
	_ =	shalt  }
.LBB2_2:
.Ltmp3:
0x1f4: {  	(pc) =	sbr.rel .LBB2_5-.Ltmp3, $3  }
0x1f5: {  	_ =	sdelay $0x1  }
0x1f6: {  	s18 =	stileid.u32;
	s20 =	rddreg [dreg:$0x3]  }
0x1f7: {  	s22 =	simm.s32 $0x14080;
	s7 =	simm.s32 $0x10080;
	s28 =	rddreg [dreg:$0x14]  }
.Lfunc_end2:
_tile_overlayer_lowered:
.L_overlay_start_2:
0x1f8: {  	(tag) =	ssettag $0x2  }
0x1f9: {  	s0 =	rddreg [dreg:$0x0];
	s2 =	stileid.u32  }
0x1fa: {  	s1 =	rddreg [dreg:$0x1];
	p0 =	sne.s32 s2, $0x0  }
0x1fb: {  	s3 =	rddreg [dreg:$0x2];
	[bflag:$0x3] =	sbarrier.arrive $0xFFFF;
	s2 =	simm.s32 @!p0 $0x1C0D  }
0x1fc: {  	[timem:s3], [sflag:s2] =	dma.local @!p0 [hbm:s0], s1  }
0x1fd: {  	s0 =	simm.s32 @!p0 $0xD  }
0x1fe: {  	_ =	swait.ge @!p0 [sflag:s0], s1  }
0x1ff: {  	s1 =	ssub.s32 @!p0 $0x0, s1;
	[sflag:s0] =	ssyncset.done @!p0 $0x0  }
0x200: {  	[sflag:s0] =	ssyncadd.s32 @!p0 s1  }
0x201: {  	[bflag:$0x3] =	sbarrier.arrive $0xFFFF  }
0x202: {  	_ =	shalt  }

</sc_bundles>
